<compile_context>
chip_gen: v7x
topology: tpu7x:2x2x1
jax: 0.10.2.dev20260603
libtpu: 0.0.44.dev20260713+nightly
codegen_flags: <defaults>
</compile_context>

<pallas_src>
import functools

import jax
import jax.numpy as jnp
from jax import lax
from jax.experimental import pallas as pl
from jax.experimental.pallas import tpu as pltpu
from jax.experimental.pallas import tpu_sc as plsc

N_NODES = 10000
N_EDGES = 320000
HIDDEN = 128
CHUNK = 128
N_CHUNKS = N_EDGES // CHUNK
N_CORES = 2
N_SUBCORES = 16
CHUNKS_PER_CORE = N_CHUNKS // N_CORES
ROWS_MAIN = 624
TAIL_BASE = ROWS_MAIN * N_SUBCORES
TAIL_ROWS = N_NODES - TAIL_BASE

_MESH = plsc.VectorSubcoreMesh(core_axis_name="c", subcore_axis_name="s")


@functools.partial(
    pl.kernel,
    mesh=_MESH,
    out_type=jax.ShapeDtypeStruct((N_CORES, N_NODES, HIDDEN), jnp.float32),
    scratch_types=[
        pltpu.VMEM((CHUNK, HIDDEN), jnp.float32),
        pltpu.VMEM((CHUNK, HIDDEN), jnp.float32),
        pltpu.VMEM((CHUNK, HIDDEN), jnp.float32),
        pltpu.VMEM((6, 1, CHUNK), jnp.int32),
        pltpu.VMEM((6, 1, CHUNK), jnp.int32),
        pltpu.VMEM_SHARED((N_NODES, HIDDEN), jnp.float32),
        pltpu.SemaphoreType.DMA,
        pltpu.SemaphoreType.DMA,
        pltpu.SemaphoreType.DMA,
        pltpu.SemaphoreType.DMA,
        pltpu.SemaphoreType.DMA,
        pltpu.SemaphoreType.DMA,
    ],
)
def _sc_segment_sum(e_hbm, idx_hbm, out_hbm, eb0, eb1, eb2, ib0, ib1, acc,
                    d0, d1, d2, isem, ssem, zsem):
    c = lax.axis_index("c")
    s = lax.axis_index("s")
    ebufs = (eb0, eb1, eb2)
    dsems = (d0, d1, d2)

    start = c * CHUNKS_PER_CORE + 78 * s + jnp.minimum(s, 2)

    def e_start(j, buf, sem):
        base = pl.multiple_of((start + j) * CHUNK, 8)
        pltpu.async_copy(e_hbm.at[pl.ds(base, CHUNK)], buf, sem)

    def e_drain(buf, sem):
        pltpu.make_async_copy(e_hbm.at[pl.ds(0, CHUNK)], buf, sem).wait()

    def i_start(blk, ibuf):
        pltpu.async_copy(idx_hbm.at[1, pl.ds(start + 6 * blk, 6)], ibuf, isem)

    def i_drain():
        pltpu.make_async_copy(idx_hbm.at[1, pl.ds(0, 6)], ib0, isem).wait()

    def s_drain():
        pltpu.make_async_copy(eb0, acc.at[pl.ds(0, CHUNK)], ssem).wait()

    i_start(0, ib0)
    e_start(0, eb0, d0)

    zero = jnp.zeros((16,), jnp.float32)

    def zrow(r, carry):
        for q in range(8):
            eb2[r, pl.ds(16 * q, 16)] = zero
        return carry

    lax.fori_loop(0, CHUNK, zrow, 0)

    row0 = pl.multiple_of(s * ROWS_MAIN, 8)
    for k in range(4):
        pltpu.async_copy(eb2, acc.at[pl.ds(row0 + 128 * k, CHUNK)], zsem)
    pltpu.async_copy(eb2.at[pl.ds(0, 112)],
                     acc.at[pl.ds(row0 + 512, 112)], zsem)

    @pl.when(s == N_SUBCORES - 1)
    def _():
        pltpu.sync_copy(eb2.at[pl.ds(0, TAIL_ROWS)],
                        acc.at[pl.ds(TAIL_BASE, TAIL_ROWS)])

    for k in range(4):
        pltpu.make_async_copy(eb2, acc.at[pl.ds(0, CHUNK)], zsem).wait()
    pltpu.make_async_copy(eb2.at[pl.ds(0, 112)],
                          acc.at[pl.ds(0, 112)], zsem).wait()

    plsc.subcore_barrier()

    def block(b, ib_cur, ib_next):
        i_drain()
        for t in range(6):
            j = 6 * b + t

            @pl.when(j >= 2)
            def _():
                s_drain()

            @pl.when(j + 1 < 78)
            def _():
                e_start(j + 1, ebufs[(t + 1) % 3], dsems[(t + 1) % 3])

            if t == 2:
                @pl.when(b < 12)
                def _():
                    i_start(b + 1, ib_next)

            e_drain(ebufs[t % 3], dsems[t % 3])
            pltpu.async_copy(ebufs[t % 3], acc.at[ib_cur.at[t].at[0]], ssem,
                             add=True)

    def body(k, carry):
        block(2 * k, ib0, ib1)
        block(2 * k + 1, ib1, ib0)
        return carry

    lax.fori_loop(0, 6, body, 0)
    block(12, ib0, ib1)

    s_drain()
    s_drain()

    @pl.when(s < 2)
    def _():
        pltpu.sync_copy(idx_hbm.at[1, pl.ds(start + 78, 1)],
                        ib1.at[pl.ds(0, 1)])
        e_start(78, eb0, d0)
        e_drain(eb0, d0)
        pltpu.sync_copy(eb0, acc.at[ib1.at[0].at[0]], add=True)

    plsc.subcore_barrier()

    pltpu.sync_copy(acc.at[pl.ds(row0, ROWS_MAIN)],
                    out_hbm.at[c, pl.ds(row0, ROWS_MAIN)])

    @pl.when(s == N_SUBCORES - 1)
    def _():
        pltpu.sync_copy(acc.at[pl.ds(TAIL_BASE, TAIL_ROWS)],
                        out_hbm.at[c, pl.ds(TAIL_BASE, TAIL_ROWS)])


def _tc_mlp_body(part_ref, v_ref, w1_ref, b1_ref, w2_ref, b2_ref, out_ref):
    acc = part_ref[0] + part_ref[1]
    dn = (((1,), (1,)), ((), ()))
    h = lax.dot_general(acc, w1_ref[...], dn,
                        preferred_element_type=jnp.float32)
    h = h + b1_ref[0]
    h = jnp.maximum(h, 0.0) + jnp.log1p(jnp.exp(-jnp.abs(h))) - 0.6931471805599453
    o = lax.dot_general(h, w2_ref[...], dn,
                        preferred_element_type=jnp.float32)
    out_ref[...] = o + b2_ref[0] + v_ref[...]


def _tc_mlp(partials, v, w1, b1, w2, b2):
    blk = 2000
    grid = (N_NODES // blk,)
    return pl.pallas_call(
        _tc_mlp_body,
        grid=grid,
        in_specs=[
            pl.BlockSpec((N_CORES, blk, HIDDEN), lambda i: (0, i, 0)),
            pl.BlockSpec((blk, HIDDEN), lambda i: (i, 0)),
            pl.BlockSpec((HIDDEN, HIDDEN), lambda i: (0, 0)),
            pl.BlockSpec((1, HIDDEN), lambda i: (0, 0)),
            pl.BlockSpec((HIDDEN, HIDDEN), lambda i: (0, 0)),
            pl.BlockSpec((1, HIDDEN), lambda i: (0, 0)),
        ],
        out_specs=pl.BlockSpec((blk, HIDDEN), lambda i: (i, 0)),
        out_shape=jax.ShapeDtypeStruct((N_NODES, HIDDEN), jnp.float32),
    )(partials, v, w1, b1.reshape(1, HIDDEN), w2, b2.reshape(1, HIDDEN))


def kernel(v, e, edge_index, W1, b1, W2, b2):
    idx4 = edge_index.reshape(2, N_CHUNKS, 1, CHUNK)
    partials = _sc_segment_sum(e, idx4)
    return _tc_mlp(partials, v, W1, b1, W2, b2)

# --- scband reference (transcript-rebuilt; emitter-appended) ---
"""Pipeline reference for scband-update-v-17377437680124 (READ-ONLY COPY).

The authoritative reference and input builder live on the scoring server;
editing this copy changes nothing except your own understanding.
"""

import jax, jax.numpy as jnp
import numpy as np

N_NODES = 10000
N_EDGES = 320000
NUM_FILTERS = 128
HIDDEN = 128


def _xavier_uniform(key, fan_out, fan_in):
    limit = float(np.sqrt(6.0 / (fan_in + fan_out)))
    return jax.random.uniform(key, (fan_out, fan_in), dtype=jnp.float32, minval=-limit, maxval=limit)


def setup_inputs(seed: int = 0) -> dict:
    key = jax.random.key(seed)
    k_v, k_e, k_idx, k_w1, k_w2 = jax.random.split(key, 5)
    v = jax.random.normal(k_v, (N_NODES, HIDDEN), dtype=jnp.float32)
    e = jax.random.normal(k_e, (N_EDGES, NUM_FILTERS), dtype=jnp.float32)
    edge_index = jax.random.randint(k_idx, (2, N_EDGES), 0, N_NODES, dtype=jnp.int64 if jax.config.jax_enable_x64 else jnp.int32).astype(jnp.int32)
    # lin1: Linear(num_filters, hidden_channels), xavier_uniform weight, zero bias
    W1 = _xavier_uniform(k_w1, HIDDEN, NUM_FILTERS)
    b1 = jnp.zeros((HIDDEN,), dtype=jnp.float32)
    # lin2: Linear(hidden_channels, hidden_channels)
    W2 = _xavier_uniform(k_w2, HIDDEN, HIDDEN)
    b2 = jnp.zeros((HIDDEN,), dtype=jnp.float32)
    return {"v": v, "e": e, "edge_index": edge_index, "W1": W1, "b1": b1, "W2": W2, "b2": b2}


def reference(v, e, edge_index, W1, b1, W2, b2):
    shift = jnp.log(jnp.asarray(2.0, dtype=jnp.float32))
    i = edge_index[1]
    # scatter-add edge features to destination nodes
    out = jax.ops.segment_sum(e, i, num_segments=v.shape[0])
    out = out @ W1.T + b1
    out = jax.nn.softplus(out) - shift  # ShiftedSoftplus
    # dropout_rate = 0.0 -> identity (eval / p=0)
    out = out @ W2.T + b2
    return v + out

if __name__ == "__main__":
    import jax
    _d = setup_inputs()
    print(jax.jit(kernel)(*tuple(_d.values())))

</pallas_src>

<mosaic_0001>
#map = affine_map<(d0, d1) -> (0, 0)>
#map1 = affine_map<(d0, d1) -> (0, 0, 0, 0)>
#map2 = affine_map<(d0, d1) -> (0, 0, 0)>
module attributes {stable_mosaic.version = 14 : i64} {
  func.func @_sc_segment_sum(%arg0: i32, %arg1: i32, %arg2: memref<320000x128xf32, #tpu.memory_space<hbm>>, %arg3: memref<2x2500x1x128xi32, #tpu.memory_space<hbm>>, %arg4: memref<2x10000x128xf32, #tpu.memory_space<hbm>>, %arg5: memref<128x128xf32, #tpu.memory_space<vmem>>, %arg6: memref<128x128xf32, #tpu.memory_space<vmem>>, %arg7: memref<128x128xf32, #tpu.memory_space<vmem>>, %arg8: memref<6x1x128xi32, #tpu.memory_space<vmem>>, %arg9: memref<6x1x128xi32, #tpu.memory_space<vmem>>, %arg10: memref<10000x128xf32, #tpu.memory_space<vmem_shared>>, %arg11: memref<!tpu.dma_semaphore, #tpu.memory_space<semaphore_mem>>, %arg12: memref<!tpu.dma_semaphore, #tpu.memory_space<semaphore_mem>>, %arg13: memref<!tpu.dma_semaphore, #tpu.memory_space<semaphore_mem>>, %arg14: memref<!tpu.dma_semaphore, #tpu.memory_space<semaphore_mem>>, %arg15: memref<!tpu.dma_semaphore, #tpu.memory_space<semaphore_mem>>, %arg16: memref<!tpu.dma_semaphore, #tpu.memory_space<semaphore_mem>>) attributes {dimension_semantics = [#tpu.dimension_semantics<core_parallel>, #tpu.dimension_semantics<subcore_parallel>], iteration_bounds = array<i64: 2, 16>, scalar_prefetch = 0 : i64, scratch_operands = 12 : i64, tpu.core_type = #tpu.core_type<sc_vector_subcore>, window_params = [{transform_indices = #map}, {transform_indices = #map1}, {transform_indices = #map2}]} {
    %mul3A = arith.constant 1250 : i32
    %mul3A_0 = arith.muli %arg0, %mul3A : i32
    %mul3A_1 = arith.constant 78 : i32
    %mul3A_2 = arith.muli %mul3A_1, %arg1 : i32
    %add3A = arith.addi %mul3A_0, %mul3A_2 : i32
    %min3A = arith.constant 2 : i32
    %min3A_3 = arith.minsi %arg1, %min3A : i32
    %add3A_4 = arith.addi %add3A, %min3A_3 : i32
    %add3A_5 = arith.constant 0 : i32
    %add3A_6 = arith.addi %add3A_4, %add3A_5 : i32
    %dma_start3A = arith.constant 1 : i32
    %dma_start3A_7 = arith.constant 0 : i32
    %dma_start3A_8 = arith.constant 0 : i32
    %dma_start3A_9 = tpu.memref_slice %arg3[%dma_start3A, %add3A_6, %dma_start3A_7, %dma_start3A_8] : memref<2x2500x1x128xi32, #tpu.memory_space<hbm>> -> memref<1x6x1x128xi32, #tpu.memory_space<hbm>>
    %dma_start3A_10 = tpu.memref_squeeze %dma_start3A_9 : memref<1x6x1x128xi32, #tpu.memory_space<hbm>> -> memref<6x1x128xi32, #tpu.memory_space<hbm>>
    %dma_start3A_11 = arith.constant 0 : i32
    %dma_start3A_12 = arith.constant 0 : i32
    %dma_start3A_13 = tpu.memref_slice %arg3[%dma_start3A, %add3A_6, %dma_start3A_11, %dma_start3A_12] : memref<2x2500x1x128xi32, #tpu.memory_space<hbm>> -> memref<1x6x1x128xi32, #tpu.memory_space<hbm>>
    %dma_start3A_14 = tpu.memref_squeeze %dma_start3A_13 : memref<1x6x1x128xi32, #tpu.memory_space<hbm>> -> memref<6x1x128xi32, #tpu.memory_space<hbm>>
    tpu.enqueue_dma source(%dma_start3A_14 : memref<6x1x128xi32, #tpu.memory_space<hbm>>) target(%arg8 : memref<6x1x128xi32, #tpu.memory_space<vmem>>) target_semaphore(%arg14 : memref<!tpu.dma_semaphore, #tpu.memory_space<semaphore_mem>>)
    %add3A_15 = arith.constant 0 : i32
    %add3A_16 = arith.addi %add3A_4, %add3A_15 : i32
    %mul3A_17 = arith.constant 128 : i32
    %mul3A_18 = arith.muli %add3A_16, %mul3A_17 : i32
    %multiple_of3A = tpu.assume_multiple %mul3A_18, 8 : i32
    %dma_start3A_19 = arith.constant 0 : i32
    %dma_start3A_20 = tpu.memref_slice %arg2[%multiple_of3A, %dma_start3A_19] : memref<320000x128xf32, #tpu.memory_space<hbm>> -> memref<128x128xf32, #tpu.memory_space<hbm>>
    %dma_start3A_21 = arith.constant 0 : i32
    %dma_start3A_22 = tpu.memref_slice %arg2[%multiple_of3A, %dma_start3A_21] : memref<320000x128xf32, #tpu.memory_space<hbm>> -> memref<128x128xf32, #tpu.memory_space<hbm>>
    tpu.enqueue_dma source(%dma_start3A_22 : memref<128x128xf32, #tpu.memory_space<hbm>>) target(%arg5 : memref<128x128xf32, #tpu.memory_space<vmem>>) target_semaphore(%arg11 : memref<!tpu.dma_semaphore, #tpu.memory_space<semaphore_mem>>)
    %broadcast_in_dim3A = arith.constant 0.000000e+00 : f32
    %broadcast_in_dim3A_23 = vector.broadcast %broadcast_in_dim3A : f32 to vector<16xf32>
    %scan3A = arith.constant 0 : i32
    %scan3A_24 = arith.constant 0 : i32
    %scan3A_25 = arith.constant 128 : i32
    %scan3A_26 = arith.addi %scan3A_24, %scan3A_25 : i32
    %scan3A_27 = arith.constant 1 : i32
    scf.for %scan3A_333 = %scan3A_24 to %scan3A_26 step %scan3A_27  : i32 {
      %swap3A = arith.index_cast %scan3A_333 : i32 to index
      %swap3A_334 = arith.constant 0 : index
      %swap3A_335 = tpu.vector_load %arg7[%swap3A, %swap3A_334] {strides = array<i32>} : memref<128x128xf32, #tpu.memory_space<vmem>>, vector<1x16xf32>,
      %swap3A_336 = vector.shape_cast %swap3A_335 : vector<1x16xf32> to vector<16xf32>
      %swap3A_337 = vector.shape_cast %broadcast_in_dim3A_23 : vector<16xf32> to vector<1x16xf32>
      tpu.vector_store %arg7[%swap3A, %swap3A_334], %swap3A_337 {strides = array<i32>} : memref<128x128xf32, #tpu.memory_space<vmem>>, vector<1x16xf32>,
      %swap3A_338 = arith.index_cast %scan3A_333 : i32 to index
      %swap3A_339 = arith.constant 16 : index
      %swap3A_340 = tpu.vector_load %arg7[%swap3A_338, %swap3A_339] {strides = array<i32>} : memref<128x128xf32, #tpu.memory_space<vmem>>, vector<1x16xf32>,
      %swap3A_341 = vector.shape_cast %swap3A_340 : vector<1x16xf32> to vector<16xf32>
      %swap3A_342 = vector.shape_cast %broadcast_in_dim3A_23 : vector<16xf32> to vector<1x16xf32>
      tpu.vector_store %arg7[%swap3A_338, %swap3A_339], %swap3A_342 {strides = array<i32>} : memref<128x128xf32, #tpu.memory_space<vmem>>, vector<1x16xf32>,
      %swap3A_343 = arith.index_cast %scan3A_333 : i32 to index
      %swap3A_344 = arith.constant 32 : index
      %swap3A_345 = tpu.vector_load %arg7[%swap3A_343, %swap3A_344] {strides = array<i32>} : memref<128x128xf32, #tpu.memory_space<vmem>>, vector<1x16xf32>,
      %swap3A_346 = vector.shape_cast %swap3A_345 : vector<1x16xf32> to vector<16xf32>
      %swap3A_347 = vector.shape_cast %broadcast_in_dim3A_23 : vector<16xf32> to vector<1x16xf32>
      tpu.vector_store %arg7[%swap3A_343, %swap3A_344], %swap3A_347 {strides = array<i32>} : memref<128x128xf32, #tpu.memory_space<vmem>>, vector<1x16xf32>,
      %swap3A_348 = arith.index_cast %scan3A_333 : i32 to index
      %swap3A_349 = arith.constant 48 : index
      %swap3A_350 = tpu.vector_load %arg7[%swap3A_348, %swap3A_349] {strides = array<i32>} : memref<128x128xf32, #tpu.memory_space<vmem>>, vector<1x16xf32>,
      %swap3A_351 = vector.shape_cast %swap3A_350 : vector<1x16xf32> to vector<16xf32>
      %swap3A_352 = vector.shape_cast %broadcast_in_dim3A_23 : vector<16xf32> to vector<1x16xf32>
      tpu.vector_store %arg7[%swap3A_348, %swap3A_349], %swap3A_352 {strides = array<i32>} : memref<128x128xf32, #tpu.memory_space<vmem>>, vector<1x16xf32>,
      %swap3A_353 = arith.index_cast %scan3A_333 : i32 to index
      %swap3A_354 = arith.constant 64 : index
      %swap3A_355 = tpu.vector_load %arg7[%swap3A_353, %swap3A_354] {strides = array<i32>} : memref<128x128xf32, #tpu.memory_space<vmem>>, vector<1x16xf32>,
      %swap3A_356 = vector.shape_cast %swap3A_355 : vector<1x16xf32> to vector<16xf32>
      %swap3A_357 = vector.shape_cast %broadcast_in_dim3A_23 : vector<16xf32> to vector<1x16xf32>
      tpu.vector_store %arg7[%swap3A_353, %swap3A_354], %swap3A_357 {strides = array<i32>} : memref<128x128xf32, #tpu.memory_space<vmem>>, vector<1x16xf32>,
      %swap3A_358 = arith.index_cast %scan3A_333 : i32 to index
      %swap3A_359 = arith.constant 80 : index
      %swap3A_360 = tpu.vector_load %arg7[%swap3A_358, %swap3A_359] {strides = array<i32>} : memref<128x128xf32, #tpu.memory_space<vmem>>, vector<1x16xf32>,
      %swap3A_361 = vector.shape_cast %swap3A_360 : vector<1x16xf32> to vector<16xf32>
      %swap3A_362 = vector.shape_cast %broadcast_in_dim3A_23 : vector<16xf32> to vector<1x16xf32>
      tpu.vector_store %arg7[%swap3A_358, %swap3A_359], %swap3A_362 {strides = array<i32>} : memref<128x128xf32, #tpu.memory_space<vmem>>, vector<1x16xf32>,
      %swap3A_363 = arith.index_cast %scan3A_333 : i32 to index
      %swap3A_364 = arith.constant 96 : index
      %swap3A_365 = tpu.vector_load %arg7[%swap3A_363, %swap3A_364] {strides = array<i32>} : memref<128x128xf32, #tpu.memory_space<vmem>>, vector<1x16xf32>,
      %swap3A_366 = vector.shape_cast %swap3A_365 : vector<1x16xf32> to vector<16xf32>
      %swap3A_367 = vector.shape_cast %broadcast_in_dim3A_23 : vector<16xf32> to vector<1x16xf32>
      tpu.vector_store %arg7[%swap3A_363, %swap3A_364], %swap3A_367 {strides = array<i32>} : memref<128x128xf32, #tpu.memory_space<vmem>>, vector<1x16xf32>,
      %swap3A_368 = arith.index_cast %scan3A_333 : i32 to index
      %swap3A_369 = arith.constant 112 : index
      %swap3A_370 = tpu.vector_load %arg7[%swap3A_368, %swap3A_369] {strides = array<i32>} : memref<128x128xf32, #tpu.memory_space<vmem>>, vector<1x16xf32>,
      %swap3A_371 = vector.shape_cast %swap3A_370 : vector<1x16xf32> to vector<16xf32>
      %swap3A_372 = vector.shape_cast %broadcast_in_dim3A_23 : vector<16xf32> to vector<1x16xf32>
      tpu.vector_store %arg7[%swap3A_368, %swap3A_369], %swap3A_372 {strides = array<i32>} : memref<128x128xf32, #tpu.memory_space<vmem>>, vector<1x16xf32>,
    }
    %scan3A_28 = arith.constant 128 : i32
    %mul3A_29 = arith.constant 624 : i32
    %mul3A_30 = arith.muli %arg1, %mul3A_29 : i32
    %multiple_of3A_31 = tpu.assume_multiple %mul3A_30, 8 : i32
    %add3A_32 = arith.constant 0 : i32
    %add3A_33 = arith.addi %multiple_of3A_31, %add3A_32 : i32
    %dma_start3A_34 = arith.constant 0 : i32
    %dma_start3A_35 = tpu.memref_slice %arg10[%add3A_33, %dma_start3A_34] : memref<10000x128xf32, #tpu.memory_space<vmem_shared>> -> memref<128x128xf32, #tpu.memory_space<vmem_shared>>
    %dma_start3A_36 = arith.constant 0 : i32
    %dma_start3A_37 = tpu.memref_slice %arg10[%add3A_33, %dma_start3A_36] : memref<10000x128xf32, #tpu.memory_space<vmem_shared>> -> memref<128x128xf32, #tpu.memory_space<vmem_shared>>
    tpu.enqueue_dma source(%arg7 : memref<128x128xf32, #tpu.memory_space<vmem>>) target(%dma_start3A_37 : memref<128x128xf32, #tpu.memory_space<vmem_shared>>) target_semaphore(%arg16 : memref<!tpu.dma_semaphore, #tpu.memory_space<semaphore_mem>>)
    %add3A_38 = arith.constant 128 : i32
    %add3A_39 = arith.addi %multiple_of3A_31, %add3A_38 : i32
    %dma_start3A_40 = arith.constant 0 : i32
    %dma_start3A_41 = tpu.memref_slice %arg10[%add3A_39, %dma_start3A_40] : memref<10000x128xf32, #tpu.memory_space<vmem_shared>> -> memref<128x128xf32, #tpu.memory_space<vmem_shared>>
    %dma_start3A_42 = arith.constant 0 : i32
    %dma_start3A_43 = tpu.memref_slice %arg10[%add3A_39, %dma_start3A_42] : memref<10000x128xf32, #tpu.memory_space<vmem_shared>> -> memref<128x128xf32, #tpu.memory_space<vmem_shared>>
    tpu.enqueue_dma source(%arg7 : memref<128x128xf32, #tpu.memory_space<vmem>>) target(%dma_start3A_43 : memref<128x128xf32, #tpu.memory_space<vmem_shared>>) target_semaphore(%arg16 : memref<!tpu.dma_semaphore, #tpu.memory_space<semaphore_mem>>)
    %add3A_44 = arith.constant 256 : i32
    %add3A_45 = arith.addi %multiple_of3A_31, %add3A_44 : i32
    %dma_start3A_46 = arith.constant 0 : i32
    %dma_start3A_47 = tpu.memref_slice %arg10[%add3A_45, %dma_start3A_46] : memref<10000x128xf32, #tpu.memory_space<vmem_shared>> -> memref<128x128xf32, #tpu.memory_space<vmem_shared>>
    %dma_start3A_48 = arith.constant 0 : i32
    %dma_start3A_49 = tpu.memref_slice %arg10[%add3A_45, %dma_start3A_48] : memref<10000x128xf32, #tpu.memory_space<vmem_shared>> -> memref<128x128xf32, #tpu.memory_space<vmem_shared>>
    tpu.enqueue_dma source(%arg7 : memref<128x128xf32, #tpu.memory_space<vmem>>) target(%dma_start3A_49 : memref<128x128xf32, #tpu.memory_space<vmem_shared>>) target_semaphore(%arg16 : memref<!tpu.dma_semaphore, #tpu.memory_space<semaphore_mem>>)
    %add3A_50 = arith.constant 384 : i32
    %add3A_51 = arith.addi %multiple_of3A_31, %add3A_50 : i32
    %dma_start3A_52 = arith.constant 0 : i32
    %dma_start3A_53 = tpu.memref_slice %arg10[%add3A_51, %dma_start3A_52] : memref<10000x128xf32, #tpu.memory_space<vmem_shared>> -> memref<128x128xf32, #tpu.memory_space<vmem_shared>>
    %dma_start3A_54 = arith.constant 0 : i32
    %dma_start3A_55 = tpu.memref_slice %arg10[%add3A_51, %dma_start3A_54] : memref<10000x128xf32, #tpu.memory_space<vmem_shared>> -> memref<128x128xf32, #tpu.memory_space<vmem_shared>>
    tpu.enqueue_dma source(%arg7 : memref<128x128xf32, #tpu.memory_space<vmem>>) target(%dma_start3A_55 : memref<128x128xf32, #tpu.memory_space<vmem_shared>>) target_semaphore(%arg16 : memref<!tpu.dma_semaphore, #tpu.memory_space<semaphore_mem>>)
    %add3A_56 = arith.constant 512 : i32
    %add3A_57 = arith.addi %multiple_of3A_31, %add3A_56 : i32
    %dma_start3A_58 = arith.constant 0 : i32
    %dma_start3A_59 = arith.constant 0 : i32
    %dma_start3A_60 = tpu.memref_slice %arg7[%dma_start3A_58, %dma_start3A_59] : memref<128x128xf32, #tpu.memory_space<vmem>> -> memref<112x128xf32, #tpu.memory_space<vmem>>
    %dma_start3A_61 = arith.constant 0 : i32
    %dma_start3A_62 = tpu.memref_slice %arg10[%add3A_57, %dma_start3A_61] : memref<10000x128xf32, #tpu.memory_space<vmem_shared>> -> memref<112x128xf32, #tpu.memory_space<vmem_shared>>
    %dma_start3A_63 = arith.constant 0 : i32
    %dma_start3A_64 = tpu.memref_slice %arg10[%add3A_57, %dma_start3A_63] : memref<10000x128xf32, #tpu.memory_space<vmem_shared>> -> memref<112x128xf32, #tpu.memory_space<vmem_shared>>
    %dma_start3A_65 = arith.constant 0 : i32
    %dma_start3A_66 = arith.constant 0 : i32
    %dma_start3A_67 = tpu.memref_slice %arg7[%dma_start3A_65, %dma_start3A_66] : memref<128x128xf32, #tpu.memory_space<vmem>> -> memref<112x128xf32, #tpu.memory_space<vmem>>
    tpu.enqueue_dma source(%dma_start3A_67 : memref<112x128xf32, #tpu.memory_space<vmem>>) target(%dma_start3A_64 : memref<112x128xf32, #tpu.memory_space<vmem_shared>>) target_semaphore(%arg16 : memref<!tpu.dma_semaphore, #tpu.memory_space<semaphore_mem>>)
    %eq3A = arith.constant 15 : i32
    %eq3A_68 = arith.cmpi eq, %arg1, %eq3A : i32
    %convert_element_type3A = arith.extui %eq3A_68 : i1 to i32
    %cond3A = arith.constant 0 : i32
    %cond3A_69 = arith.cmpi ne, %convert_element_type3A, %cond3A : i32
    scf.if %cond3A_69 {
      "tpu.region"() ({
        %run_scoped3A = tpu.sem_alloc : memref<!tpu.dma_semaphore, #tpu.memory_space<semaphore_mem>>
        %dma_start3A_333 = arith.constant 0 : i32
        %dma_start3A_334 = arith.constant 0 : i32
        %dma_start3A_335 = tpu.memref_slice %arg7[%dma_start3A_333, %dma_start3A_334] : memref<128x128xf32, #tpu.memory_space<vmem>> -> memref<16x128xf32, #tpu.memory_space<vmem>>
        %dma_start3A_336 = arith.constant 9984 : i32
        %dma_start3A_337 = arith.constant 0 : i32
        %dma_start3A_338 = tpu.memref_slice %arg10[%dma_start3A_336, %dma_start3A_337] : memref<10000x128xf32, #tpu.memory_space<vmem_shared>> -> memref<16x128xf32, #tpu.memory_space<vmem_shared>>
        %dma_start3A_339 = arith.constant 9984 : i32
        %dma_start3A_340 = arith.constant 0 : i32
        %dma_start3A_341 = tpu.memref_slice %arg10[%dma_start3A_339, %dma_start3A_340] : memref<10000x128xf32, #tpu.memory_space<vmem_shared>> -> memref<16x128xf32, #tpu.memory_space<vmem_shared>>
        %dma_start3A_342 = arith.constant 0 : i32
        %dma_start3A_343 = arith.constant 0 : i32
        %dma_start3A_344 = tpu.memref_slice %arg7[%dma_start3A_342, %dma_start3A_343] : memref<128x128xf32, #tpu.memory_space<vmem>> -> memref<16x128xf32, #tpu.memory_space<vmem>>
        tpu.enqueue_dma source(%dma_start3A_344 : memref<16x128xf32, #tpu.memory_space<vmem>>) target(%dma_start3A_341 : memref<16x128xf32, #tpu.memory_space<vmem_shared>>) target_semaphore(%run_scoped3A : memref<!tpu.dma_semaphore, #tpu.memory_space<semaphore_mem>>)
        %dma_wait3A_345 = arith.constant 0 : i32
        %dma_wait3A_346 = arith.constant 0 : i32
        %dma_wait3A_347 = tpu.memref_slice %arg7[%dma_wait3A_345, %dma_wait3A_346] : memref<128x128xf32, #tpu.memory_space<vmem>> -> memref<16x128xf32, #tpu.memory_space<vmem>>
        %dma_wait3A_348 = arith.constant 9984 : i32
        %dma_wait3A_349 = arith.constant 0 : i32
        %dma_wait3A_350 = tpu.memref_slice %arg10[%dma_wait3A_348, %dma_wait3A_349] : memref<10000x128xf32, #tpu.memory_space<vmem_shared>> -> memref<16x128xf32, #tpu.memory_space<vmem_shared>>
        %dma_wait3A_351 = arith.constant 9984 : i32
        %dma_wait3A_352 = arith.constant 0 : i32
        %dma_wait3A_353 = tpu.memref_slice %arg10[%dma_wait3A_351, %dma_wait3A_352] : memref<10000x128xf32, #tpu.memory_space<vmem_shared>> -> memref<16x128xf32, #tpu.memory_space<vmem_shared>>
        %dma_wait3A_354 = arith.constant 0 : i32
        %dma_wait3A_355 = arith.constant 0 : i32
        %dma_wait3A_356 = tpu.memref_slice %arg7[%dma_wait3A_354, %dma_wait3A_355] : memref<128x128xf32, #tpu.memory_space<vmem>> -> memref<16x128xf32, #tpu.memory_space<vmem>>
        tpu.wait_dma2 semaphore(%run_scoped3A : memref<!tpu.dma_semaphore, #tpu.memory_space<semaphore_mem>>) src(%dma_wait3A_356 : memref<16x128xf32, #tpu.memory_space<vmem>>) dst(%dma_wait3A_353 : memref<16x128xf32, #tpu.memory_space<vmem_shared>>)
        tpu.yield
      }) : () -> ()
    } else {
    }
    %dma_wait3A = arith.constant 0 : i32
    %dma_wait3A_70 = arith.constant 0 : i32
    %dma_wait3A_71 = tpu.memref_slice %arg10[%dma_wait3A, %dma_wait3A_70] : memref<10000x128xf32, #tpu.memory_space<vmem_shared>> -> memref<128x128xf32, #tpu.memory_space<vmem_shared>>
    %dma_wait3A_72 = arith.constant 0 : i32
    %dma_wait3A_73 = arith.constant 0 : i32
    %dma_wait3A_74 = tpu.memref_slice %arg10[%dma_wait3A_72, %dma_wait3A_73] : memref<10000x128xf32, #tpu.memory_space<vmem_shared>> -> memref<128x128xf32, #tpu.memory_space<vmem_shared>>
    tpu.wait_dma2 semaphore(%arg16 : memref<!tpu.dma_semaphore, #tpu.memory_space<semaphore_mem>>) src(%arg7 : memref<128x128xf32, #tpu.memory_space<vmem>>) dst(%dma_wait3A_74 : memref<128x128xf32, #tpu.memory_space<vmem_shared>>)
    %dma_wait3A_75 = arith.constant 0 : i32
    %dma_wait3A_76 = arith.constant 0 : i32
    %dma_wait3A_77 = tpu.memref_slice %arg10[%dma_wait3A_75, %dma_wait3A_76] : memref<10000x128xf32, #tpu.memory_space<vmem_shared>> -> memref<128x128xf32, #tpu.memory_space<vmem_shared>>
    %dma_wait3A_78 = arith.constant 0 : i32
    %dma_wait3A_79 = arith.constant 0 : i32
    %dma_wait3A_80 = tpu.memref_slice %arg10[%dma_wait3A_78, %dma_wait3A_79] : memref<10000x128xf32, #tpu.memory_space<vmem_shared>> -> memref<128x128xf32, #tpu.memory_space<vmem_shared>>
    tpu.wait_dma2 semaphore(%arg16 : memref<!tpu.dma_semaphore, #tpu.memory_space<semaphore_mem>>) src(%arg7 : memref<128x128xf32, #tpu.memory_space<vmem>>) dst(%dma_wait3A_80 : memref<128x128xf32, #tpu.memory_space<vmem_shared>>)
    %dma_wait3A_81 = arith.constant 0 : i32
    %dma_wait3A_82 = arith.constant 0 : i32
    %dma_wait3A_83 = tpu.memref_slice %arg10[%dma_wait3A_81, %dma_wait3A_82] : memref<10000x128xf32, #tpu.memory_space<vmem_shared>> -> memref<128x128xf32, #tpu.memory_space<vmem_shared>>
    %dma_wait3A_84 = arith.constant 0 : i32
    %dma_wait3A_85 = arith.constant 0 : i32
    %dma_wait3A_86 = tpu.memref_slice %arg10[%dma_wait3A_84, %dma_wait3A_85] : memref<10000x128xf32, #tpu.memory_space<vmem_shared>> -> memref<128x128xf32, #tpu.memory_space<vmem_shared>>
    tpu.wait_dma2 semaphore(%arg16 : memref<!tpu.dma_semaphore, #tpu.memory_space<semaphore_mem>>) src(%arg7 : memref<128x128xf32, #tpu.memory_space<vmem>>) dst(%dma_wait3A_86 : memref<128x128xf32, #tpu.memory_space<vmem_shared>>)
    %dma_wait3A_87 = arith.constant 0 : i32
    %dma_wait3A_88 = arith.constant 0 : i32
    %dma_wait3A_89 = tpu.memref_slice %arg10[%dma_wait3A_87, %dma_wait3A_88] : memref<10000x128xf32, #tpu.memory_space<vmem_shared>> -> memref<128x128xf32, #tpu.memory_space<vmem_shared>>
    %dma_wait3A_90 = arith.constant 0 : i32
    %dma_wait3A_91 = arith.constant 0 : i32
    %dma_wait3A_92 = tpu.memref_slice %arg10[%dma_wait3A_90, %dma_wait3A_91] : memref<10000x128xf32, #tpu.memory_space<vmem_shared>> -> memref<128x128xf32, #tpu.memory_space<vmem_shared>>
    tpu.wait_dma2 semaphore(%arg16 : memref<!tpu.dma_semaphore, #tpu.memory_space<semaphore_mem>>) src(%arg7 : memref<128x128xf32, #tpu.memory_space<vmem>>) dst(%dma_wait3A_92 : memref<128x128xf32, #tpu.memory_space<vmem_shared>>)
    %dma_wait3A_93 = arith.constant 0 : i32
    %dma_wait3A_94 = arith.constant 0 : i32
    %dma_wait3A_95 = tpu.memref_slice %arg7[%dma_wait3A_93, %dma_wait3A_94] : memref<128x128xf32, #tpu.memory_space<vmem>> -> memref<112x128xf32, #tpu.memory_space<vmem>>
    %dma_wait3A_96 = arith.constant 0 : i32
    %dma_wait3A_97 = arith.constant 0 : i32
    %dma_wait3A_98 = tpu.memref_slice %arg10[%dma_wait3A_96, %dma_wait3A_97] : memref<10000x128xf32, #tpu.memory_space<vmem_shared>> -> memref<112x128xf32, #tpu.memory_space<vmem_shared>>
    %dma_wait3A_99 = arith.constant 0 : i32
    %dma_wait3A_100 = arith.constant 0 : i32
    %dma_wait3A_101 = tpu.memref_slice %arg10[%dma_wait3A_99, %dma_wait3A_100] : memref<10000x128xf32, #tpu.memory_space<vmem_shared>> -> memref<112x128xf32, #tpu.memory_space<vmem_shared>>
    %dma_wait3A_102 = arith.constant 0 : i32
    %dma_wait3A_103 = arith.constant 0 : i32
    %dma_wait3A_104 = tpu.memref_slice %arg7[%dma_wait3A_102, %dma_wait3A_103] : memref<128x128xf32, #tpu.memory_space<vmem>> -> memref<112x128xf32, #tpu.memory_space<vmem>>
    tpu.wait_dma2 semaphore(%arg16 : memref<!tpu.dma_semaphore, #tpu.memory_space<semaphore_mem>>) src(%dma_wait3A_104 : memref<112x128xf32, #tpu.memory_space<vmem>>) dst(%dma_wait3A_101 : memref<112x128xf32, #tpu.memory_space<vmem_shared>>)
    %barrier3A = arith.constant 0 : index
    tpu.barrier barrier_id(%barrier3A)
    %scan3A_105 = arith.constant 0 : i32
    %scan3A_106 = arith.constant 0 : i32
    %scan3A_107 = arith.constant 6 : i32
    %scan3A_108 = arith.addi %scan3A_106, %scan3A_107 : i32
    %scan3A_109 = arith.constant 1 : i32
    scf.for %scan3A_333 = %scan3A_106 to %scan3A_108 step %scan3A_109  : i32 {
      %mul3A_334 = arith.constant 2 : i32
      %mul3A_335 = arith.muli %mul3A_334, %scan3A_333 : i32
      %dma_wait3A_336 = arith.constant 1 : i32
      %dma_wait3A_337 = arith.constant 0 : i32
      %dma_wait3A_338 = arith.constant 0 : i32
      %dma_wait3A_339 = arith.constant 0 : i32
      %dma_wait3A_340 = tpu.memref_slice %arg3[%dma_wait3A_336, %dma_wait3A_337, %dma_wait3A_338, %dma_wait3A_339] : memref<2x2500x1x128xi32, #tpu.memory_space<hbm>> -> memref<1x6x1x128xi32, #tpu.memory_space<hbm>>
      %dma_wait3A_341 = tpu.memref_squeeze %dma_wait3A_340 : memref<1x6x1x128xi32, #tpu.memory_space<hbm>> -> memref<6x1x128xi32, #tpu.memory_space<hbm>>
      %dma_wait3A_342 = arith.constant 0 : i32
      %dma_wait3A_343 = arith.constant 0 : i32
      %dma_wait3A_344 = arith.constant 0 : i32
      %dma_wait3A_345 = tpu.memref_slice %arg3[%dma_wait3A_336, %dma_wait3A_342, %dma_wait3A_343, %dma_wait3A_344] : memref<2x2500x1x128xi32, #tpu.memory_space<hbm>> -> memref<1x6x1x128xi32, #tpu.memory_space<hbm>>
      %dma_wait3A_346 = tpu.memref_squeeze %dma_wait3A_345 : memref<1x6x1x128xi32, #tpu.memory_space<hbm>> -> memref<6x1x128xi32, #tpu.memory_space<hbm>>
      tpu.wait_dma2 semaphore(%arg14 : memref<!tpu.dma_semaphore, #tpu.memory_space<semaphore_mem>>) src(%dma_wait3A_346 : memref<6x1x128xi32, #tpu.memory_space<hbm>>) dst(%arg8 : memref<6x1x128xi32, #tpu.memory_space<vmem>>)
      %mul3A_347 = arith.constant 6 : i32
      %mul3A_348 = arith.muli %mul3A_347, %mul3A_335 : i32
      %add3A_349 = arith.constant 0 : i32
      %add3A_350 = arith.addi %mul3A_348, %add3A_349 : i32
      %ge3A = arith.constant 2 : i32
      %ge3A_351 = arith.cmpi sge, %add3A_350, %ge3A : i32
      %convert_element_type3A_352 = arith.extui %ge3A_351 : i1 to i32
      %cond3A_353 = arith.constant 0 : i32
      %cond3A_354 = arith.cmpi ne, %convert_element_type3A_352, %cond3A_353 : i32
      scf.if %cond3A_354 {
        %dma_wait3A_779 = arith.constant 0 : i32
        %dma_wait3A_780 = arith.constant 0 : i32
        %dma_wait3A_781 = tpu.memref_slice %arg10[%dma_wait3A_779, %dma_wait3A_780] : memref<10000x128xf32, #tpu.memory_space<vmem_shared>> -> memref<128x128xf32, #tpu.memory_space<vmem_shared>>
        %dma_wait3A_782 = arith.constant 0 : i32
        %dma_wait3A_783 = arith.constant 0 : i32
        %dma_wait3A_784 = tpu.memref_slice %arg10[%dma_wait3A_782, %dma_wait3A_783] : memref<10000x128xf32, #tpu.memory_space<vmem_shared>> -> memref<128x128xf32, #tpu.memory_space<vmem_shared>>
        tpu.wait_dma2 semaphore(%arg15 : memref<!tpu.dma_semaphore, #tpu.memory_space<semaphore_mem>>) src(%arg5 : memref<128x128xf32, #tpu.memory_space<vmem>>) dst(%dma_wait3A_784 : memref<128x128xf32, #tpu.memory_space<vmem_shared>>)
      } else {
      }
      %add3A_355 = arith.constant 1 : i32
      %add3A_356 = arith.addi %add3A_350, %add3A_355 : i32
      %lt3A_357 = arith.constant 78 : i32
      %lt3A_358 = arith.cmpi slt, %add3A_356, %lt3A_357 : i32
      %convert_element_type3A_359 = arith.extui %lt3A_358 : i1 to i32
      %cond3A_360 = arith.constant 0 : i32
      %cond3A_361 = arith.cmpi ne, %convert_element_type3A_359, %cond3A_360 : i32
      scf.if %cond3A_361 {
        %add3A_779 = arith.constant 1 : i32
        %add3A_780 = arith.addi %add3A_350, %add3A_779 : i32
        %add3A_781 = arith.addi %add3A_4, %add3A_780 : i32
        %mul3A_782 = arith.constant 128 : i32
        %mul3A_783 = arith.muli %add3A_781, %mul3A_782 : i32
        %multiple_of3A_784 = tpu.assume_multiple %mul3A_783, 8 : i32
        %dma_start3A_785 = arith.constant 0 : i32
        %dma_start3A_786 = tpu.memref_slice %arg2[%multiple_of3A_784, %dma_start3A_785] : memref<320000x128xf32, #tpu.memory_space<hbm>> -> memref<128x128xf32, #tpu.memory_space<hbm>>
        %dma_start3A_787 = arith.constant 0 : i32
        %dma_start3A_788 = tpu.memref_slice %arg2[%multiple_of3A_784, %dma_start3A_787] : memref<320000x128xf32, #tpu.memory_space<hbm>> -> memref<128x128xf32, #tpu.memory_space<hbm>>
        tpu.enqueue_dma source(%dma_start3A_788 : memref<128x128xf32, #tpu.memory_space<hbm>>) target(%arg6 : memref<128x128xf32, #tpu.memory_space<vmem>>) target_semaphore(%arg12 : memref<!tpu.dma_semaphore, #tpu.memory_space<semaphore_mem>>)
      } else {
      }
      %dma_wait3A_362 = arith.constant 0 : i32
      %dma_wait3A_363 = arith.constant 0 : i32
      %dma_wait3A_364 = tpu.memref_slice %arg2[%dma_wait3A_362, %dma_wait3A_363] : memref<320000x128xf32, #tpu.memory_space<hbm>> -> memref<128x128xf32, #tpu.memory_space<hbm>>
      %dma_wait3A_365 = arith.constant 0 : i32
      %dma_wait3A_366 = arith.constant 0 : i32
      %dma_wait3A_367 = tpu.memref_slice %arg2[%dma_wait3A_365, %dma_wait3A_366] : memref<320000x128xf32, #tpu.memory_space<hbm>> -> memref<128x128xf32, #tpu.memory_space<hbm>>
      tpu.wait_dma2 semaphore(%arg11 : memref<!tpu.dma_semaphore, #tpu.memory_space<semaphore_mem>>) src(%dma_wait3A_367 : memref<128x128xf32, #tpu.memory_space<hbm>>) dst(%arg5 : memref<128x128xf32, #tpu.memory_space<vmem>>)
      %dma_start3A_368 = arith.constant 0 : i32
      %dma_start3A_369 = arith.constant 0 : i32
      %dma_start3A_370 = arith.constant 0 : i32
      %dma_start3A_371 = arith.constant 0 : i32
      %dma_start3A_372 = tpu.memref_slice %arg8[%dma_start3A_368, %dma_start3A_370, %dma_start3A_371] : memref<6x1x128xi32, #tpu.memory_space<vmem>> -> memref<1x1x128xi32, #tpu.memory_space<vmem>>
      %dma_start3A_373 = tpu.memref_squeeze %dma_start3A_372 : memref<1x1x128xi32, #tpu.memory_space<vmem>> -> memref<1x128xi32, #tpu.memory_space<vmem>>
      %dma_start3A_374 = arith.constant 0 : i32
      %dma_start3A_375 = tpu.memref_slice %dma_start3A_373[%dma_start3A_369, %dma_start3A_374] : memref<1x128xi32, #tpu.memory_space<vmem>> -> memref<1x128xi32, #tpu.memory_space<vmem>>
      %dma_start3A_376 = tpu.memref_squeeze %dma_start3A_375 : memref<1x128xi32, #tpu.memory_space<vmem>> -> memref<128xi32, #tpu.memory_space<vmem>>
      %dma_start3A_377 = arith.constant 0 : i32
      %dma_start3A_378 = arith.constant 0 : i32
      %dma_start3A_379 = tpu.memref_slice %arg10[%dma_start3A_377, %dma_start3A_378] : memref<10000x128xf32, #tpu.memory_space<vmem_shared>> -> memref<10000x128xf32, #tpu.memory_space<vmem_shared>>
      tpu.enqueue_indirect_dma source(%arg5 : memref<128x128xf32, #tpu.memory_space<vmem>>) target(%dma_start3A_379 : memref<10000x128xf32, #tpu.memory_space<vmem_shared>>) offsets(%dma_start3A_376 : memref<128xi32, #tpu.memory_space<vmem>>) semaphore(%arg15 : memref<!tpu.dma_semaphore, #tpu.memory_space<semaphore_mem>>) {add = true}
      %mul3A_380 = arith.constant 6 : i32
      %mul3A_381 = arith.muli %mul3A_380, %mul3A_335 : i32
      %add3A_382 = arith.constant 1 : i32
      %add3A_383 = arith.addi %mul3A_381, %add3A_382 : i32
      %ge3A_384 = arith.constant 2 : i32
      %ge3A_385 = arith.cmpi sge, %add3A_383, %ge3A_384 : i32
      %convert_element_type3A_386 = arith.extui %ge3A_385 : i1 to i32
      %cond3A_387 = arith.constant 0 : i32
      %cond3A_388 = arith.cmpi ne, %convert_element_type3A_386, %cond3A_387 : i32
      scf.if %cond3A_388 {
        %dma_wait3A_779 = arith.constant 0 : i32
        %dma_wait3A_780 = arith.constant 0 : i32
        %dma_wait3A_781 = tpu.memref_slice %arg10[%dma_wait3A_779, %dma_wait3A_780] : memref<10000x128xf32, #tpu.memory_space<vmem_shared>> -> memref<128x128xf32, #tpu.memory_space<vmem_shared>>
        %dma_wait3A_782 = arith.constant 0 : i32
        %dma_wait3A_783 = arith.constant 0 : i32
        %dma_wait3A_784 = tpu.memref_slice %arg10[%dma_wait3A_782, %dma_wait3A_783] : memref<10000x128xf32, #tpu.memory_space<vmem_shared>> -> memref<128x128xf32, #tpu.memory_space<vmem_shared>>
        tpu.wait_dma2 semaphore(%arg15 : memref<!tpu.dma_semaphore, #tpu.memory_space<semaphore_mem>>) src(%arg5 : memref<128x128xf32, #tpu.memory_space<vmem>>) dst(%dma_wait3A_784 : memref<128x128xf32, #tpu.memory_space<vmem_shared>>)
      } else {
      }
      %add3A_389 = arith.constant 1 : i32
      %add3A_390 = arith.addi %add3A_383, %add3A_389 : i32
      %lt3A_391 = arith.constant 78 : i32
      %lt3A_392 = arith.cmpi slt, %add3A_390, %lt3A_391 : i32
      %convert_element_type3A_393 = arith.extui %lt3A_392 : i1 to i32
      %cond3A_394 = arith.constant 0 : i32
      %cond3A_395 = arith.cmpi ne, %convert_element_type3A_393, %cond3A_394 : i32
      scf.if %cond3A_395 {
        %add3A_779 = arith.constant 1 : i32
        %add3A_780 = arith.addi %add3A_383, %add3A_779 : i32
        %add3A_781 = arith.addi %add3A_4, %add3A_780 : i32
        %mul3A_782 = arith.constant 128 : i32
        %mul3A_783 = arith.muli %add3A_781, %mul3A_782 : i32
        %multiple_of3A_784 = tpu.assume_multiple %mul3A_783, 8 : i32
        %dma_start3A_785 = arith.constant 0 : i32
        %dma_start3A_786 = tpu.memref_slice %arg2[%multiple_of3A_784, %dma_start3A_785] : memref<320000x128xf32, #tpu.memory_space<hbm>> -> memref<128x128xf32, #tpu.memory_space<hbm>>
        %dma_start3A_787 = arith.constant 0 : i32
        %dma_start3A_788 = tpu.memref_slice %arg2[%multiple_of3A_784, %dma_start3A_787] : memref<320000x128xf32, #tpu.memory_space<hbm>> -> memref<128x128xf32, #tpu.memory_space<hbm>>
        tpu.enqueue_dma source(%dma_start3A_788 : memref<128x128xf32, #tpu.memory_space<hbm>>) target(%arg7 : memref<128x128xf32, #tpu.memory_space<vmem>>) target_semaphore(%arg13 : memref<!tpu.dma_semaphore, #tpu.memory_space<semaphore_mem>>)
      } else {
      }
      %dma_wait3A_396 = arith.constant 0 : i32
      %dma_wait3A_397 = arith.constant 0 : i32
      %dma_wait3A_398 = tpu.memref_slice %arg2[%dma_wait3A_396, %dma_wait3A_397] : memref<320000x128xf32, #tpu.memory_space<hbm>> -> memref<128x128xf32, #tpu.memory_space<hbm>>
      %dma_wait3A_399 = arith.constant 0 : i32
      %dma_wait3A_400 = arith.constant 0 : i32
      %dma_wait3A_401 = tpu.memref_slice %arg2[%dma_wait3A_399, %dma_wait3A_400] : memref<320000x128xf32, #tpu.memory_space<hbm>> -> memref<128x128xf32, #tpu.memory_space<hbm>>
      tpu.wait_dma2 semaphore(%arg12 : memref<!tpu.dma_semaphore, #tpu.memory_space<semaphore_mem>>) src(%dma_wait3A_401 : memref<128x128xf32, #tpu.memory_space<hbm>>) dst(%arg6 : memref<128x128xf32, #tpu.memory_space<vmem>>)
      %dma_start3A_402 = arith.constant 1 : i32
      %dma_start3A_403 = arith.constant 0 : i32
      %dma_start3A_404 = arith.constant 0 : i32
      %dma_start3A_405 = arith.constant 0 : i32
      %dma_start3A_406 = tpu.memref_slice %arg8[%dma_start3A_402, %dma_start3A_404, %dma_start3A_405] : memref<6x1x128xi32, #tpu.memory_space<vmem>> -> memref<1x1x128xi32, #tpu.memory_space<vmem>>
      %dma_start3A_407 = tpu.memref_squeeze %dma_start3A_406 : memref<1x1x128xi32, #tpu.memory_space<vmem>> -> memref<1x128xi32, #tpu.memory_space<vmem>>
      %dma_start3A_408 = arith.constant 0 : i32
      %dma_start3A_409 = tpu.memref_slice %dma_start3A_407[%dma_start3A_403, %dma_start3A_408] : memref<1x128xi32, #tpu.memory_space<vmem>> -> memref<1x128xi32, #tpu.memory_space<vmem>>
      %dma_start3A_410 = tpu.memref_squeeze %dma_start3A_409 : memref<1x128xi32, #tpu.memory_space<vmem>> -> memref<128xi32, #tpu.memory_space<vmem>>
      %dma_start3A_411 = arith.constant 0 : i32
      %dma_start3A_412 = arith.constant 0 : i32
      %dma_start3A_413 = tpu.memref_slice %arg10[%dma_start3A_411, %dma_start3A_412] : memref<10000x128xf32, #tpu.memory_space<vmem_shared>> -> memref<10000x128xf32, #tpu.memory_space<vmem_shared>>
      tpu.enqueue_indirect_dma source(%arg6 : memref<128x128xf32, #tpu.memory_space<vmem>>) target(%dma_start3A_413 : memref<10000x128xf32, #tpu.memory_space<vmem_shared>>) offsets(%dma_start3A_410 : memref<128xi32, #tpu.memory_space<vmem>>) semaphore(%arg15 : memref<!tpu.dma_semaphore, #tpu.memory_space<semaphore_mem>>) {add = true}
      %mul3A_414 = arith.constant 6 : i32
      %mul3A_415 = arith.muli %mul3A_414, %mul3A_335 : i32
      %add3A_416 = arith.constant 2 : i32
      %add3A_417 = arith.addi %mul3A_415, %add3A_416 : i32
      %ge3A_418 = arith.constant 2 : i32
      %ge3A_419 = arith.cmpi sge, %add3A_417, %ge3A_418 : i32
      %convert_element_type3A_420 = arith.extui %ge3A_419 : i1 to i32
      %cond3A_421 = arith.constant 0 : i32
      %cond3A_422 = arith.cmpi ne, %convert_element_type3A_420, %cond3A_421 : i32
      scf.if %cond3A_422 {
        %dma_wait3A_779 = arith.constant 0 : i32
        %dma_wait3A_780 = arith.constant 0 : i32
        %dma_wait3A_781 = tpu.memref_slice %arg10[%dma_wait3A_779, %dma_wait3A_780] : memref<10000x128xf32, #tpu.memory_space<vmem_shared>> -> memref<128x128xf32, #tpu.memory_space<vmem_shared>>
        %dma_wait3A_782 = arith.constant 0 : i32
        %dma_wait3A_783 = arith.constant 0 : i32
        %dma_wait3A_784 = tpu.memref_slice %arg10[%dma_wait3A_782, %dma_wait3A_783] : memref<10000x128xf32, #tpu.memory_space<vmem_shared>> -> memref<128x128xf32, #tpu.memory_space<vmem_shared>>
        tpu.wait_dma2 semaphore(%arg15 : memref<!tpu.dma_semaphore, #tpu.memory_space<semaphore_mem>>) src(%arg5 : memref<128x128xf32, #tpu.memory_space<vmem>>) dst(%dma_wait3A_784 : memref<128x128xf32, #tpu.memory_space<vmem_shared>>)
      } else {
      }
      %add3A_423 = arith.constant 1 : i32
      %add3A_424 = arith.addi %add3A_417, %add3A_423 : i32
      %lt3A_425 = arith.constant 78 : i32
      %lt3A_426 = arith.cmpi slt, %add3A_424, %lt3A_425 : i32
      %convert_element_type3A_427 = arith.extui %lt3A_426 : i1 to i32
      %cond3A_428 = arith.constant 0 : i32
      %cond3A_429 = arith.cmpi ne, %convert_element_type3A_427, %cond3A_428 : i32
      scf.if %cond3A_429 {
        %add3A_779 = arith.constant 1 : i32
        %add3A_780 = arith.addi %add3A_417, %add3A_779 : i32
        %add3A_781 = arith.addi %add3A_4, %add3A_780 : i32
        %mul3A_782 = arith.constant 128 : i32
        %mul3A_783 = arith.muli %add3A_781, %mul3A_782 : i32
        %multiple_of3A_784 = tpu.assume_multiple %mul3A_783, 8 : i32
        %dma_start3A_785 = arith.constant 0 : i32
        %dma_start3A_786 = tpu.memref_slice %arg2[%multiple_of3A_784, %dma_start3A_785] : memref<320000x128xf32, #tpu.memory_space<hbm>> -> memref<128x128xf32, #tpu.memory_space<hbm>>
        %dma_start3A_787 = arith.constant 0 : i32
        %dma_start3A_788 = tpu.memref_slice %arg2[%multiple_of3A_784, %dma_start3A_787] : memref<320000x128xf32, #tpu.memory_space<hbm>> -> memref<128x128xf32, #tpu.memory_space<hbm>>
        tpu.enqueue_dma source(%dma_start3A_788 : memref<128x128xf32, #tpu.memory_space<hbm>>) target(%arg5 : memref<128x128xf32, #tpu.memory_space<vmem>>) target_semaphore(%arg11 : memref<!tpu.dma_semaphore, #tpu.memory_space<semaphore_mem>>)
      } else {
      }
      %lt3A_430 = arith.constant 12 : i32
      %lt3A_431 = arith.cmpi slt, %mul3A_335, %lt3A_430 : i32
      %convert_element_type3A_432 = arith.extui %lt3A_431 : i1 to i32
      %cond3A_433 = arith.constant 0 : i32
      %cond3A_434 = arith.cmpi ne, %convert_element_type3A_432, %cond3A_433 : i32
      scf.if %cond3A_434 {
        %add3A_779 = arith.constant 1 : i32
        %add3A_780 = arith.addi %mul3A_335, %add3A_779 : i32
        %mul3A_781 = arith.constant 6 : i32
        %mul3A_782 = arith.muli %mul3A_781, %add3A_780 : i32
        %add3A_783 = arith.addi %add3A_4, %mul3A_782 : i32
        %dma_start3A_784 = arith.constant 1 : i32
        %dma_start3A_785 = arith.constant 0 : i32
        %dma_start3A_786 = arith.constant 0 : i32
        %dma_start3A_787 = tpu.memref_slice %arg3[%dma_start3A_784, %add3A_783, %dma_start3A_785, %dma_start3A_786] : memref<2x2500x1x128xi32, #tpu.memory_space<hbm>> -> memref<1x6x1x128xi32, #tpu.memory_space<hbm>>
        %dma_start3A_788 = tpu.memref_squeeze %dma_start3A_787 : memref<1x6x1x128xi32, #tpu.memory_space<hbm>> -> memref<6x1x128xi32, #tpu.memory_space<hbm>>
        %dma_start3A_789 = arith.constant 0 : i32
        %dma_start3A_790 = arith.constant 0 : i32
        %dma_start3A_791 = tpu.memref_slice %arg3[%dma_start3A_784, %add3A_783, %dma_start3A_789, %dma_start3A_790] : memref<2x2500x1x128xi32, #tpu.memory_space<hbm>> -> memref<1x6x1x128xi32, #tpu.memory_space<hbm>>
        %dma_start3A_792 = tpu.memref_squeeze %dma_start3A_791 : memref<1x6x1x128xi32, #tpu.memory_space<hbm>> -> memref<6x1x128xi32, #tpu.memory_space<hbm>>
        tpu.enqueue_dma source(%dma_start3A_792 : memref<6x1x128xi32, #tpu.memory_space<hbm>>) target(%arg9 : memref<6x1x128xi32, #tpu.memory_space<vmem>>) target_semaphore(%arg14 : memref<!tpu.dma_semaphore, #tpu.memory_space<semaphore_mem>>)
      } else {
      }
      %dma_wait3A_435 = arith.constant 0 : i32
      %dma_wait3A_436 = arith.constant 0 : i32
      %dma_wait3A_437 = tpu.memref_slice %arg2[%dma_wait3A_435, %dma_wait3A_436] : memref<320000x128xf32, #tpu.memory_space<hbm>> -> memref<128x128xf32, #tpu.memory_space<hbm>>
      %dma_wait3A_438 = arith.constant 0 : i32
      %dma_wait3A_439 = arith.constant 0 : i32
      %dma_wait3A_440 = tpu.memref_slice %arg2[%dma_wait3A_438, %dma_wait3A_439] : memref<320000x128xf32, #tpu.memory_space<hbm>> -> memref<128x128xf32, #tpu.memory_space<hbm>>
      tpu.wait_dma2 semaphore(%arg13 : memref<!tpu.dma_semaphore, #tpu.memory_space<semaphore_mem>>) src(%dma_wait3A_440 : memref<128x128xf32, #tpu.memory_space<hbm>>) dst(%arg7 : memref<128x128xf32, #tpu.memory_space<vmem>>)
      %dma_start3A_441 = arith.constant 2 : i32
      %dma_start3A_442 = arith.constant 0 : i32
      %dma_start3A_443 = arith.constant 0 : i32
      %dma_start3A_444 = arith.constant 0 : i32
      %dma_start3A_445 = tpu.memref_slice %arg8[%dma_start3A_441, %dma_start3A_443, %dma_start3A_444] : memref<6x1x128xi32, #tpu.memory_space<vmem>> -> memref<1x1x128xi32, #tpu.memory_space<vmem>>
      %dma_start3A_446 = tpu.memref_squeeze %dma_start3A_445 : memref<1x1x128xi32, #tpu.memory_space<vmem>> -> memref<1x128xi32, #tpu.memory_space<vmem>>
      %dma_start3A_447 = arith.constant 0 : i32
      %dma_start3A_448 = tpu.memref_slice %dma_start3A_446[%dma_start3A_442, %dma_start3A_447] : memref<1x128xi32, #tpu.memory_space<vmem>> -> memref<1x128xi32, #tpu.memory_space<vmem>>
      %dma_start3A_449 = tpu.memref_squeeze %dma_start3A_448 : memref<1x128xi32, #tpu.memory_space<vmem>> -> memref<128xi32, #tpu.memory_space<vmem>>
      %dma_start3A_450 = arith.constant 0 : i32
      %dma_start3A_451 = arith.constant 0 : i32
      %dma_start3A_452 = tpu.memref_slice %arg10[%dma_start3A_450, %dma_start3A_451] : memref<10000x128xf32, #tpu.memory_space<vmem_shared>> -> memref<10000x128xf32, #tpu.memory_space<vmem_shared>>
      tpu.enqueue_indirect_dma source(%arg7 : memref<128x128xf32, #tpu.memory_space<vmem>>) target(%dma_start3A_452 : memref<10000x128xf32, #tpu.memory_space<vmem_shared>>) offsets(%dma_start3A_449 : memref<128xi32, #tpu.memory_space<vmem>>) semaphore(%arg15 : memref<!tpu.dma_semaphore, #tpu.memory_space<semaphore_mem>>) {add = true}
      %mul3A_453 = arith.constant 6 : i32
      %mul3A_454 = arith.muli %mul3A_453, %mul3A_335 : i32
      %add3A_455 = arith.constant 3 : i32
      %add3A_456 = arith.addi %mul3A_454, %add3A_455 : i32
      %ge3A_457 = arith.constant 2 : i32
      %ge3A_458 = arith.cmpi sge, %add3A_456, %ge3A_457 : i32
      %convert_element_type3A_459 = arith.extui %ge3A_458 : i1 to i32
      %cond3A_460 = arith.constant 0 : i32
      %cond3A_461 = arith.cmpi ne, %convert_element_type3A_459, %cond3A_460 : i32
      scf.if %cond3A_461 {
        %dma_wait3A_779 = arith.constant 0 : i32
        %dma_wait3A_780 = arith.constant 0 : i32
        %dma_wait3A_781 = tpu.memref_slice %arg10[%dma_wait3A_779, %dma_wait3A_780] : memref<10000x128xf32, #tpu.memory_space<vmem_shared>> -> memref<128x128xf32, #tpu.memory_space<vmem_shared>>
        %dma_wait3A_782 = arith.constant 0 : i32
        %dma_wait3A_783 = arith.constant 0 : i32
        %dma_wait3A_784 = tpu.memref_slice %arg10[%dma_wait3A_782, %dma_wait3A_783] : memref<10000x128xf32, #tpu.memory_space<vmem_shared>> -> memref<128x128xf32, #tpu.memory_space<vmem_shared>>
        tpu.wait_dma2 semaphore(%arg15 : memref<!tpu.dma_semaphore, #tpu.memory_space<semaphore_mem>>) src(%arg5 : memref<128x128xf32, #tpu.memory_space<vmem>>) dst(%dma_wait3A_784 : memref<128x128xf32, #tpu.memory_space<vmem_shared>>)
      } else {
      }
      %add3A_462 = arith.constant 1 : i32
      %add3A_463 = arith.addi %add3A_456, %add3A_462 : i32
      %lt3A_464 = arith.constant 78 : i32
      %lt3A_465 = arith.cmpi slt, %add3A_463, %lt3A_464 : i32
      %convert_element_type3A_466 = arith.extui %lt3A_465 : i1 to i32
      %cond3A_467 = arith.constant 0 : i32
      %cond3A_468 = arith.cmpi ne, %convert_element_type3A_466, %cond3A_467 : i32
      scf.if %cond3A_468 {
        %add3A_779 = arith.constant 1 : i32
        %add3A_780 = arith.addi %add3A_456, %add3A_779 : i32
        %add3A_781 = arith.addi %add3A_4, %add3A_780 : i32
        %mul3A_782 = arith.constant 128 : i32
        %mul3A_783 = arith.muli %add3A_781, %mul3A_782 : i32
        %multiple_of3A_784 = tpu.assume_multiple %mul3A_783, 8 : i32
        %dma_start3A_785 = arith.constant 0 : i32
        %dma_start3A_786 = tpu.memref_slice %arg2[%multiple_of3A_784, %dma_start3A_785] : memref<320000x128xf32, #tpu.memory_space<hbm>> -> memref<128x128xf32, #tpu.memory_space<hbm>>
        %dma_start3A_787 = arith.constant 0 : i32
        %dma_start3A_788 = tpu.memref_slice %arg2[%multiple_of3A_784, %dma_start3A_787] : memref<320000x128xf32, #tpu.memory_space<hbm>> -> memref<128x128xf32, #tpu.memory_space<hbm>>
        tpu.enqueue_dma source(%dma_start3A_788 : memref<128x128xf32, #tpu.memory_space<hbm>>) target(%arg6 : memref<128x128xf32, #tpu.memory_space<vmem>>) target_semaphore(%arg12 : memref<!tpu.dma_semaphore, #tpu.memory_space<semaphore_mem>>)
      } else {
      }
      %dma_wait3A_469 = arith.constant 0 : i32
      %dma_wait3A_470 = arith.constant 0 : i32
      %dma_wait3A_471 = tpu.memref_slice %arg2[%dma_wait3A_469, %dma_wait3A_470] : memref<320000x128xf32, #tpu.memory_space<hbm>> -> memref<128x128xf32, #tpu.memory_space<hbm>>
      %dma_wait3A_472 = arith.constant 0 : i32
      %dma_wait3A_473 = arith.constant 0 : i32
      %dma_wait3A_474 = tpu.memref_slice %arg2[%dma_wait3A_472, %dma_wait3A_473] : memref<320000x128xf32, #tpu.memory_space<hbm>> -> memref<128x128xf32, #tpu.memory_space<hbm>>
      tpu.wait_dma2 semaphore(%arg11 : memref<!tpu.dma_semaphore, #tpu.memory_space<semaphore_mem>>) src(%dma_wait3A_474 : memref<128x128xf32, #tpu.memory_space<hbm>>) dst(%arg5 : memref<128x128xf32, #tpu.memory_space<vmem>>)
      %dma_start3A_475 = arith.constant 3 : i32
      %dma_start3A_476 = arith.constant 0 : i32
      %dma_start3A_477 = arith.constant 0 : i32
      %dma_start3A_478 = arith.constant 0 : i32
      %dma_start3A_479 = tpu.memref_slice %arg8[%dma_start3A_475, %dma_start3A_477, %dma_start3A_478] : memref<6x1x128xi32, #tpu.memory_space<vmem>> -> memref<1x1x128xi32, #tpu.memory_space<vmem>>
      %dma_start3A_480 = tpu.memref_squeeze %dma_start3A_479 : memref<1x1x128xi32, #tpu.memory_space<vmem>> -> memref<1x128xi32, #tpu.memory_space<vmem>>
      %dma_start3A_481 = arith.constant 0 : i32
      %dma_start3A_482 = tpu.memref_slice %dma_start3A_480[%dma_start3A_476, %dma_start3A_481] : memref<1x128xi32, #tpu.memory_space<vmem>> -> memref<1x128xi32, #tpu.memory_space<vmem>>
      %dma_start3A_483 = tpu.memref_squeeze %dma_start3A_482 : memref<1x128xi32, #tpu.memory_space<vmem>> -> memref<128xi32, #tpu.memory_space<vmem>>
      %dma_start3A_484 = arith.constant 0 : i32
      %dma_start3A_485 = arith.constant 0 : i32
      %dma_start3A_486 = tpu.memref_slice %arg10[%dma_start3A_484, %dma_start3A_485] : memref<10000x128xf32, #tpu.memory_space<vmem_shared>> -> memref<10000x128xf32, #tpu.memory_space<vmem_shared>>
      tpu.enqueue_indirect_dma source(%arg5 : memref<128x128xf32, #tpu.memory_space<vmem>>) target(%dma_start3A_486 : memref<10000x128xf32, #tpu.memory_space<vmem_shared>>) offsets(%dma_start3A_483 : memref<128xi32, #tpu.memory_space<vmem>>) semaphore(%arg15 : memref<!tpu.dma_semaphore, #tpu.memory_space<semaphore_mem>>) {add = true}
      %mul3A_487 = arith.constant 6 : i32
      %mul3A_488 = arith.muli %mul3A_487, %mul3A_335 : i32
      %add3A_489 = arith.constant 4 : i32
      %add3A_490 = arith.addi %mul3A_488, %add3A_489 : i32
      %ge3A_491 = arith.constant 2 : i32
      %ge3A_492 = arith.cmpi sge, %add3A_490, %ge3A_491 : i32
      %convert_element_type3A_493 = arith.extui %ge3A_492 : i1 to i32
      %cond3A_494 = arith.constant 0 : i32
      %cond3A_495 = arith.cmpi ne, %convert_element_type3A_493, %cond3A_494 : i32
      scf.if %cond3A_495 {
        %dma_wait3A_779 = arith.constant 0 : i32
        %dma_wait3A_780 = arith.constant 0 : i32
        %dma_wait3A_781 = tpu.memref_slice %arg10[%dma_wait3A_779, %dma_wait3A_780] : memref<10000x128xf32, #tpu.memory_space<vmem_shared>> -> memref<128x128xf32, #tpu.memory_space<vmem_shared>>
        %dma_wait3A_782 = arith.constant 0 : i32
        %dma_wait3A_783 = arith.constant 0 : i32
        %dma_wait3A_784 = tpu.memref_slice %arg10[%dma_wait3A_782, %dma_wait3A_783] : memref<10000x128xf32, #tpu.memory_space<vmem_shared>> -> memref<128x128xf32, #tpu.memory_space<vmem_shared>>
        tpu.wait_dma2 semaphore(%arg15 : memref<!tpu.dma_semaphore, #tpu.memory_space<semaphore_mem>>) src(%arg5 : memref<128x128xf32, #tpu.memory_space<vmem>>) dst(%dma_wait3A_784 : memref<128x128xf32, #tpu.memory_space<vmem_shared>>)
      } else {
      }
      %add3A_496 = arith.constant 1 : i32
      %add3A_497 = arith.addi %add3A_490, %add3A_496 : i32
      %lt3A_498 = arith.constant 78 : i32
      %lt3A_499 = arith.cmpi slt, %add3A_497, %lt3A_498 : i32
      %convert_element_type3A_500 = arith.extui %lt3A_499 : i1 to i32
      %cond3A_501 = arith.constant 0 : i32
      %cond3A_502 = arith.cmpi ne, %convert_element_type3A_500, %cond3A_501 : i32
      scf.if %cond3A_502 {
        %add3A_779 = arith.constant 1 : i32
        %add3A_780 = arith.addi %add3A_490, %add3A_779 : i32
        %add3A_781 = arith.addi %add3A_4, %add3A_780 : i32
        %mul3A_782 = arith.constant 128 : i32
        %mul3A_783 = arith.muli %add3A_781, %mul3A_782 : i32
        %multiple_of3A_784 = tpu.assume_multiple %mul3A_783, 8 : i32
        %dma_start3A_785 = arith.constant 0 : i32
        %dma_start3A_786 = tpu.memref_slice %arg2[%multiple_of3A_784, %dma_start3A_785] : memref<320000x128xf32, #tpu.memory_space<hbm>> -> memref<128x128xf32, #tpu.memory_space<hbm>>
        %dma_start3A_787 = arith.constant 0 : i32
        %dma_start3A_788 = tpu.memref_slice %arg2[%multiple_of3A_784, %dma_start3A_787] : memref<320000x128xf32, #tpu.memory_space<hbm>> -> memref<128x128xf32, #tpu.memory_space<hbm>>
        tpu.enqueue_dma source(%dma_start3A_788 : memref<128x128xf32, #tpu.memory_space<hbm>>) target(%arg7 : memref<128x128xf32, #tpu.memory_space<vmem>>) target_semaphore(%arg13 : memref<!tpu.dma_semaphore, #tpu.memory_space<semaphore_mem>>)
      } else {
      }
      %dma_wait3A_503 = arith.constant 0 : i32
      %dma_wait3A_504 = arith.constant 0 : i32
      %dma_wait3A_505 = tpu.memref_slice %arg2[%dma_wait3A_503, %dma_wait3A_504] : memref<320000x128xf32, #tpu.memory_space<hbm>> -> memref<128x128xf32, #tpu.memory_space<hbm>>
      %dma_wait3A_506 = arith.constant 0 : i32
      %dma_wait3A_507 = arith.constant 0 : i32
      %dma_wait3A_508 = tpu.memref_slice %arg2[%dma_wait3A_506, %dma_wait3A_507] : memref<320000x128xf32, #tpu.memory_space<hbm>> -> memref<128x128xf32, #tpu.memory_space<hbm>>
      tpu.wait_dma2 semaphore(%arg12 : memref<!tpu.dma_semaphore, #tpu.memory_space<semaphore_mem>>) src(%dma_wait3A_508 : memref<128x128xf32, #tpu.memory_space<hbm>>) dst(%arg6 : memref<128x128xf32, #tpu.memory_space<vmem>>)
      %dma_start3A_509 = arith.constant 4 : i32
      %dma_start3A_510 = arith.constant 0 : i32
      %dma_start3A_511 = arith.constant 0 : i32
      %dma_start3A_512 = arith.constant 0 : i32
      %dma_start3A_513 = tpu.memref_slice %arg8[%dma_start3A_509, %dma_start3A_511, %dma_start3A_512] : memref<6x1x128xi32, #tpu.memory_space<vmem>> -> memref<1x1x128xi32, #tpu.memory_space<vmem>>
      %dma_start3A_514 = tpu.memref_squeeze %dma_start3A_513 : memref<1x1x128xi32, #tpu.memory_space<vmem>> -> memref<1x128xi32, #tpu.memory_space<vmem>>
      %dma_start3A_515 = arith.constant 0 : i32
      %dma_start3A_516 = tpu.memref_slice %dma_start3A_514[%dma_start3A_510, %dma_start3A_515] : memref<1x128xi32, #tpu.memory_space<vmem>> -> memref<1x128xi32, #tpu.memory_space<vmem>>
      %dma_start3A_517 = tpu.memref_squeeze %dma_start3A_516 : memref<1x128xi32, #tpu.memory_space<vmem>> -> memref<128xi32, #tpu.memory_space<vmem>>
      %dma_start3A_518 = arith.constant 0 : i32
      %dma_start3A_519 = arith.constant 0 : i32
      %dma_start3A_520 = tpu.memref_slice %arg10[%dma_start3A_518, %dma_start3A_519] : memref<10000x128xf32, #tpu.memory_space<vmem_shared>> -> memref<10000x128xf32, #tpu.memory_space<vmem_shared>>
      tpu.enqueue_indirect_dma source(%arg6 : memref<128x128xf32, #tpu.memory_space<vmem>>) target(%dma_start3A_520 : memref<10000x128xf32, #tpu.memory_space<vmem_shared>>) offsets(%dma_start3A_517 : memref<128xi32, #tpu.memory_space<vmem>>) semaphore(%arg15 : memref<!tpu.dma_semaphore, #tpu.memory_space<semaphore_mem>>) {add = true}
      %mul3A_521 = arith.constant 6 : i32
      %mul3A_522 = arith.muli %mul3A_521, %mul3A_335 : i32
      %add3A_523 = arith.constant 5 : i32
      %add3A_524 = arith.addi %mul3A_522, %add3A_523 : i32
      %ge3A_525 = arith.constant 2 : i32
      %ge3A_526 = arith.cmpi sge, %add3A_524, %ge3A_525 : i32
      %convert_element_type3A_527 = arith.extui %ge3A_526 : i1 to i32
      %cond3A_528 = arith.constant 0 : i32
      %cond3A_529 = arith.cmpi ne, %convert_element_type3A_527, %cond3A_528 : i32
      scf.if %cond3A_529 {
        %dma_wait3A_779 = arith.constant 0 : i32
        %dma_wait3A_780 = arith.constant 0 : i32
        %dma_wait3A_781 = tpu.memref_slice %arg10[%dma_wait3A_779, %dma_wait3A_780] : memref<10000x128xf32, #tpu.memory_space<vmem_shared>> -> memref<128x128xf32, #tpu.memory_space<vmem_shared>>
        %dma_wait3A_782 = arith.constant 0 : i32
        %dma_wait3A_783 = arith.constant 0 : i32
        %dma_wait3A_784 = tpu.memref_slice %arg10[%dma_wait3A_782, %dma_wait3A_783] : memref<10000x128xf32, #tpu.memory_space<vmem_shared>> -> memref<128x128xf32, #tpu.memory_space<vmem_shared>>
        tpu.wait_dma2 semaphore(%arg15 : memref<!tpu.dma_semaphore, #tpu.memory_space<semaphore_mem>>) src(%arg5 : memref<128x128xf32, #tpu.memory_space<vmem>>) dst(%dma_wait3A_784 : memref<128x128xf32, #tpu.memory_space<vmem_shared>>)
      } else {
      }
      %add3A_530 = arith.constant 1 : i32
      %add3A_531 = arith.addi %add3A_524, %add3A_530 : i32
      %lt3A_532 = arith.constant 78 : i32
      %lt3A_533 = arith.cmpi slt, %add3A_531, %lt3A_532 : i32
      %convert_element_type3A_534 = arith.extui %lt3A_533 : i1 to i32
      %cond3A_535 = arith.constant 0 : i32
      %cond3A_536 = arith.cmpi ne, %convert_element_type3A_534, %cond3A_535 : i32
      scf.if %cond3A_536 {
        %add3A_779 = arith.constant 1 : i32
        %add3A_780 = arith.addi %add3A_524, %add3A_779 : i32
        %add3A_781 = arith.addi %add3A_4, %add3A_780 : i32
        %mul3A_782 = arith.constant 128 : i32
        %mul3A_783 = arith.muli %add3A_781, %mul3A_782 : i32
        %multiple_of3A_784 = tpu.assume_multiple %mul3A_783, 8 : i32
        %dma_start3A_785 = arith.constant 0 : i32
        %dma_start3A_786 = tpu.memref_slice %arg2[%multiple_of3A_784, %dma_start3A_785] : memref<320000x128xf32, #tpu.memory_space<hbm>> -> memref<128x128xf32, #tpu.memory_space<hbm>>
        %dma_start3A_787 = arith.constant 0 : i32
        %dma_start3A_788 = tpu.memref_slice %arg2[%multiple_of3A_784, %dma_start3A_787] : memref<320000x128xf32, #tpu.memory_space<hbm>> -> memref<128x128xf32, #tpu.memory_space<hbm>>
        tpu.enqueue_dma source(%dma_start3A_788 : memref<128x128xf32, #tpu.memory_space<hbm>>) target(%arg5 : memref<128x128xf32, #tpu.memory_space<vmem>>) target_semaphore(%arg11 : memref<!tpu.dma_semaphore, #tpu.memory_space<semaphore_mem>>)
      } else {
      }
      %dma_wait3A_537 = arith.constant 0 : i32
      %dma_wait3A_538 = arith.constant 0 : i32
      %dma_wait3A_539 = tpu.memref_slice %arg2[%dma_wait3A_537, %dma_wait3A_538] : memref<320000x128xf32, #tpu.memory_space<hbm>> -> memref<128x128xf32, #tpu.memory_space<hbm>>
      %dma_wait3A_540 = arith.constant 0 : i32
      %dma_wait3A_541 = arith.constant 0 : i32
      %dma_wait3A_542 = tpu.memref_slice %arg2[%dma_wait3A_540, %dma_wait3A_541] : memref<320000x128xf32, #tpu.memory_space<hbm>> -> memref<128x128xf32, #tpu.memory_space<hbm>>
      tpu.wait_dma2 semaphore(%arg13 : memref<!tpu.dma_semaphore, #tpu.memory_space<semaphore_mem>>) src(%dma_wait3A_542 : memref<128x128xf32, #tpu.memory_space<hbm>>) dst(%arg7 : memref<128x128xf32, #tpu.memory_space<vmem>>)
      %dma_start3A_543 = arith.constant 5 : i32
      %dma_start3A_544 = arith.constant 0 : i32
      %dma_start3A_545 = arith.constant 0 : i32
      %dma_start3A_546 = arith.constant 0 : i32
      %dma_start3A_547 = tpu.memref_slice %arg8[%dma_start3A_543, %dma_start3A_545, %dma_start3A_546] : memref<6x1x128xi32, #tpu.memory_space<vmem>> -> memref<1x1x128xi32, #tpu.memory_space<vmem>>
      %dma_start3A_548 = tpu.memref_squeeze %dma_start3A_547 : memref<1x1x128xi32, #tpu.memory_space<vmem>> -> memref<1x128xi32, #tpu.memory_space<vmem>>
      %dma_start3A_549 = arith.constant 0 : i32
      %dma_start3A_550 = tpu.memref_slice %dma_start3A_548[%dma_start3A_544, %dma_start3A_549] : memref<1x128xi32, #tpu.memory_space<vmem>> -> memref<1x128xi32, #tpu.memory_space<vmem>>
      %dma_start3A_551 = tpu.memref_squeeze %dma_start3A_550 : memref<1x128xi32, #tpu.memory_space<vmem>> -> memref<128xi32, #tpu.memory_space<vmem>>
      %dma_start3A_552 = arith.constant 0 : i32
      %dma_start3A_553 = arith.constant 0 : i32
      %dma_start3A_554 = tpu.memref_slice %arg10[%dma_start3A_552, %dma_start3A_553] : memref<10000x128xf32, #tpu.memory_space<vmem_shared>> -> memref<10000x128xf32, #tpu.memory_space<vmem_shared>>
      tpu.enqueue_indirect_dma source(%arg7 : memref<128x128xf32, #tpu.memory_space<vmem>>) target(%dma_start3A_554 : memref<10000x128xf32, #tpu.memory_space<vmem_shared>>) offsets(%dma_start3A_551 : memref<128xi32, #tpu.memory_space<vmem>>) semaphore(%arg15 : memref<!tpu.dma_semaphore, #tpu.memory_space<semaphore_mem>>) {add = true}
      %mul3A_555 = arith.constant 2 : i32
      %mul3A_556 = arith.muli %mul3A_555, %scan3A_333 : i32
      %add3A_557 = arith.constant 1 : i32
      %add3A_558 = arith.addi %mul3A_556, %add3A_557 : i32
      %dma_wait3A_559 = arith.constant 1 : i32
      %dma_wait3A_560 = arith.constant 0 : i32
      %dma_wait3A_561 = arith.constant 0 : i32
      %dma_wait3A_562 = arith.constant 0 : i32
      %dma_wait3A_563 = tpu.memref_slice %arg3[%dma_wait3A_559, %dma_wait3A_560, %dma_wait3A_561, %dma_wait3A_562] : memref<2x2500x1x128xi32, #tpu.memory_space<hbm>> -> memref<1x6x1x128xi32, #tpu.memory_space<hbm>>
      %dma_wait3A_564 = tpu.memref_squeeze %dma_wait3A_563 : memref<1x6x1x128xi32, #tpu.memory_space<hbm>> -> memref<6x1x128xi32, #tpu.memory_space<hbm>>
      %dma_wait3A_565 = arith.constant 0 : i32
      %dma_wait3A_566 = arith.constant 0 : i32
      %dma_wait3A_567 = arith.constant 0 : i32
      %dma_wait3A_568 = tpu.memref_slice %arg3[%dma_wait3A_559, %dma_wait3A_565, %dma_wait3A_566, %dma_wait3A_567] : memref<2x2500x1x128xi32, #tpu.memory_space<hbm>> -> memref<1x6x1x128xi32, #tpu.memory_space<hbm>>
      %dma_wait3A_569 = tpu.memref_squeeze %dma_wait3A_568 : memref<1x6x1x128xi32, #tpu.memory_space<hbm>> -> memref<6x1x128xi32, #tpu.memory_space<hbm>>
      tpu.wait_dma2 semaphore(%arg14 : memref<!tpu.dma_semaphore, #tpu.memory_space<semaphore_mem>>) src(%dma_wait3A_569 : memref<6x1x128xi32, #tpu.memory_space<hbm>>) dst(%arg8 : memref<6x1x128xi32, #tpu.memory_space<vmem>>)
      %mul3A_570 = arith.constant 6 : i32
      %mul3A_571 = arith.muli %mul3A_570, %add3A_558 : i32
      %add3A_572 = arith.constant 0 : i32
      %add3A_573 = arith.addi %mul3A_571, %add3A_572 : i32
      %ge3A_574 = arith.constant 2 : i32
      %ge3A_575 = arith.cmpi sge, %add3A_573, %ge3A_574 : i32
      %convert_element_type3A_576 = arith.extui %ge3A_575 : i1 to i32
      %cond3A_577 = arith.constant 0 : i32
      %cond3A_578 = arith.cmpi ne, %convert_element_type3A_576, %cond3A_577 : i32
      scf.if %cond3A_578 {
        %dma_wait3A_779 = arith.constant 0 : i32
        %dma_wait3A_780 = arith.constant 0 : i32
        %dma_wait3A_781 = tpu.memref_slice %arg10[%dma_wait3A_779, %dma_wait3A_780] : memref<10000x128xf32, #tpu.memory_space<vmem_shared>> -> memref<128x128xf32, #tpu.memory_space<vmem_shared>>
        %dma_wait3A_782 = arith.constant 0 : i32
        %dma_wait3A_783 = arith.constant 0 : i32
        %dma_wait3A_784 = tpu.memref_slice %arg10[%dma_wait3A_782, %dma_wait3A_783] : memref<10000x128xf32, #tpu.memory_space<vmem_shared>> -> memref<128x128xf32, #tpu.memory_space<vmem_shared>>
        tpu.wait_dma2 semaphore(%arg15 : memref<!tpu.dma_semaphore, #tpu.memory_space<semaphore_mem>>) src(%arg5 : memref<128x128xf32, #tpu.memory_space<vmem>>) dst(%dma_wait3A_784 : memref<128x128xf32, #tpu.memory_space<vmem_shared>>)
      } else {
      }
      %add3A_579 = arith.constant 1 : i32
      %add3A_580 = arith.addi %add3A_573, %add3A_579 : i32
      %lt3A_581 = arith.constant 78 : i32
      %lt3A_582 = arith.cmpi slt, %add3A_580, %lt3A_581 : i32
      %convert_element_type3A_583 = arith.extui %lt3A_582 : i1 to i32
      %cond3A_584 = arith.constant 0 : i32
      %cond3A_585 = arith.cmpi ne, %convert_element_type3A_583, %cond3A_584 : i32
      scf.if %cond3A_585 {
        %add3A_779 = arith.constant 1 : i32
        %add3A_780 = arith.addi %add3A_573, %add3A_779 : i32
        %add3A_781 = arith.addi %add3A_4, %add3A_780 : i32
        %mul3A_782 = arith.constant 128 : i32
        %mul3A_783 = arith.muli %add3A_781, %mul3A_782 : i32
        %multiple_of3A_784 = tpu.assume_multiple %mul3A_783, 8 : i32
        %dma_start3A_785 = arith.constant 0 : i32
        %dma_start3A_786 = tpu.memref_slice %arg2[%multiple_of3A_784, %dma_start3A_785] : memref<320000x128xf32, #tpu.memory_space<hbm>> -> memref<128x128xf32, #tpu.memory_space<hbm>>
        %dma_start3A_787 = arith.constant 0 : i32
        %dma_start3A_788 = tpu.memref_slice %arg2[%multiple_of3A_784, %dma_start3A_787] : memref<320000x128xf32, #tpu.memory_space<hbm>> -> memref<128x128xf32, #tpu.memory_space<hbm>>
        tpu.enqueue_dma source(%dma_start3A_788 : memref<128x128xf32, #tpu.memory_space<hbm>>) target(%arg6 : memref<128x128xf32, #tpu.memory_space<vmem>>) target_semaphore(%arg12 : memref<!tpu.dma_semaphore, #tpu.memory_space<semaphore_mem>>)
      } else {
      }
      %dma_wait3A_586 = arith.constant 0 : i32
      %dma_wait3A_587 = arith.constant 0 : i32
      %dma_wait3A_588 = tpu.memref_slice %arg2[%dma_wait3A_586, %dma_wait3A_587] : memref<320000x128xf32, #tpu.memory_space<hbm>> -> memref<128x128xf32, #tpu.memory_space<hbm>>
      %dma_wait3A_589 = arith.constant 0 : i32
      %dma_wait3A_590 = arith.constant 0 : i32
      %dma_wait3A_591 = tpu.memref_slice %arg2[%dma_wait3A_589, %dma_wait3A_590] : memref<320000x128xf32, #tpu.memory_space<hbm>> -> memref<128x128xf32, #tpu.memory_space<hbm>>
      tpu.wait_dma2 semaphore(%arg11 : memref<!tpu.dma_semaphore, #tpu.memory_space<semaphore_mem>>) src(%dma_wait3A_591 : memref<128x128xf32, #tpu.memory_space<hbm>>) dst(%arg5 : memref<128x128xf32, #tpu.memory_space<vmem>>)
      %dma_start3A_592 = arith.constant 0 : i32
      %dma_start3A_593 = arith.constant 0 : i32
      %dma_start3A_594 = arith.constant 0 : i32
      %dma_start3A_595 = arith.constant 0 : i32
      %dma_start3A_596 = tpu.memref_slice %arg9[%dma_start3A_592, %dma_start3A_594, %dma_start3A_595] : memref<6x1x128xi32, #tpu.memory_space<vmem>> -> memref<1x1x128xi32, #tpu.memory_space<vmem>>
      %dma_start3A_597 = tpu.memref_squeeze %dma_start3A_596 : memref<1x1x128xi32, #tpu.memory_space<vmem>> -> memref<1x128xi32, #tpu.memory_space<vmem>>
      %dma_start3A_598 = arith.constant 0 : i32
      %dma_start3A_599 = tpu.memref_slice %dma_start3A_597[%dma_start3A_593, %dma_start3A_598] : memref<1x128xi32, #tpu.memory_space<vmem>> -> memref<1x128xi32, #tpu.memory_space<vmem>>
      %dma_start3A_600 = tpu.memref_squeeze %dma_start3A_599 : memref<1x128xi32, #tpu.memory_space<vmem>> -> memref<128xi32, #tpu.memory_space<vmem>>
      %dma_start3A_601 = arith.constant 0 : i32
      %dma_start3A_602 = arith.constant 0 : i32
      %dma_start3A_603 = tpu.memref_slice %arg10[%dma_start3A_601, %dma_start3A_602] : memref<10000x128xf32, #tpu.memory_space<vmem_shared>> -> memref<10000x128xf32, #tpu.memory_space<vmem_shared>>
      tpu.enqueue_indirect_dma source(%arg5 : memref<128x128xf32, #tpu.memory_space<vmem>>) target(%dma_start3A_603 : memref<10000x128xf32, #tpu.memory_space<vmem_shared>>) offsets(%dma_start3A_600 : memref<128xi32, #tpu.memory_space<vmem>>) semaphore(%arg15 : memref<!tpu.dma_semaphore, #tpu.memory_space<semaphore_mem>>) {add = true}
      %mul3A_604 = arith.constant 6 : i32
      %mul3A_605 = arith.muli %mul3A_604, %add3A_558 : i32
      %add3A_606 = arith.constant 1 : i32
      %add3A_607 = arith.addi %mul3A_605, %add3A_606 : i32
      %ge3A_608 = arith.constant 2 : i32
      %ge3A_609 = arith.cmpi sge, %add3A_607, %ge3A_608 : i32
      %convert_element_type3A_610 = arith.extui %ge3A_609 : i1 to i32
      %cond3A_611 = arith.constant 0 : i32
      %cond3A_612 = arith.cmpi ne, %convert_element_type3A_610, %cond3A_611 : i32
      scf.if %cond3A_612 {
        %dma_wait3A_779 = arith.constant 0 : i32
        %dma_wait3A_780 = arith.constant 0 : i32
        %dma_wait3A_781 = tpu.memref_slice %arg10[%dma_wait3A_779, %dma_wait3A_780] : memref<10000x128xf32, #tpu.memory_space<vmem_shared>> -> memref<128x128xf32, #tpu.memory_space<vmem_shared>>
        %dma_wait3A_782 = arith.constant 0 : i32
        %dma_wait3A_783 = arith.constant 0 : i32
        %dma_wait3A_784 = tpu.memref_slice %arg10[%dma_wait3A_782, %dma_wait3A_783] : memref<10000x128xf32, #tpu.memory_space<vmem_shared>> -> memref<128x128xf32, #tpu.memory_space<vmem_shared>>
        tpu.wait_dma2 semaphore(%arg15 : memref<!tpu.dma_semaphore, #tpu.memory_space<semaphore_mem>>) src(%arg5 : memref<128x128xf32, #tpu.memory_space<vmem>>) dst(%dma_wait3A_784 : memref<128x128xf32, #tpu.memory_space<vmem_shared>>)
      } else {
      }
      %add3A_613 = arith.constant 1 : i32
      %add3A_614 = arith.addi %add3A_607, %add3A_613 : i32
      %lt3A_615 = arith.constant 78 : i32
      %lt3A_616 = arith.cmpi slt, %add3A_614, %lt3A_615 : i32
      %convert_element_type3A_617 = arith.extui %lt3A_616 : i1 to i32
      %cond3A_618 = arith.constant 0 : i32
      %cond3A_619 = arith.cmpi ne, %convert_element_type3A_617, %cond3A_618 : i32
      scf.if %cond3A_619 {
        %add3A_779 = arith.constant 1 : i32
        %add3A_780 = arith.addi %add3A_607, %add3A_779 : i32
        %add3A_781 = arith.addi %add3A_4, %add3A_780 : i32
        %mul3A_782 = arith.constant 128 : i32
        %mul3A_783 = arith.muli %add3A_781, %mul3A_782 : i32
        %multiple_of3A_784 = tpu.assume_multiple %mul3A_783, 8 : i32
        %dma_start3A_785 = arith.constant 0 : i32
        %dma_start3A_786 = tpu.memref_slice %arg2[%multiple_of3A_784, %dma_start3A_785] : memref<320000x128xf32, #tpu.memory_space<hbm>> -> memref<128x128xf32, #tpu.memory_space<hbm>>
        %dma_start3A_787 = arith.constant 0 : i32
        %dma_start3A_788 = tpu.memref_slice %arg2[%multiple_of3A_784, %dma_start3A_787] : memref<320000x128xf32, #tpu.memory_space<hbm>> -> memref<128x128xf32, #tpu.memory_space<hbm>>
        tpu.enqueue_dma source(%dma_start3A_788 : memref<128x128xf32, #tpu.memory_space<hbm>>) target(%arg7 : memref<128x128xf32, #tpu.memory_space<vmem>>) target_semaphore(%arg13 : memref<!tpu.dma_semaphore, #tpu.memory_space<semaphore_mem>>)
      } else {
      }
      %dma_wait3A_620 = arith.constant 0 : i32
      %dma_wait3A_621 = arith.constant 0 : i32
      %dma_wait3A_622 = tpu.memref_slice %arg2[%dma_wait3A_620, %dma_wait3A_621] : memref<320000x128xf32, #tpu.memory_space<hbm>> -> memref<128x128xf32, #tpu.memory_space<hbm>>
      %dma_wait3A_623 = arith.constant 0 : i32
      %dma_wait3A_624 = arith.constant 0 : i32
      %dma_wait3A_625 = tpu.memref_slice %arg2[%dma_wait3A_623, %dma_wait3A_624] : memref<320000x128xf32, #tpu.memory_space<hbm>> -> memref<128x128xf32, #tpu.memory_space<hbm>>
      tpu.wait_dma2 semaphore(%arg12 : memref<!tpu.dma_semaphore, #tpu.memory_space<semaphore_mem>>) src(%dma_wait3A_625 : memref<128x128xf32, #tpu.memory_space<hbm>>) dst(%arg6 : memref<128x128xf32, #tpu.memory_space<vmem>>)
      %dma_start3A_626 = arith.constant 1 : i32
      %dma_start3A_627 = arith.constant 0 : i32
      %dma_start3A_628 = arith.constant 0 : i32
      %dma_start3A_629 = arith.constant 0 : i32
      %dma_start3A_630 = tpu.memref_slice %arg9[%dma_start3A_626, %dma_start3A_628, %dma_start3A_629] : memref<6x1x128xi32, #tpu.memory_space<vmem>> -> memref<1x1x128xi32, #tpu.memory_space<vmem>>
      %dma_start3A_631 = tpu.memref_squeeze %dma_start3A_630 : memref<1x1x128xi32, #tpu.memory_space<vmem>> -> memref<1x128xi32, #tpu.memory_space<vmem>>
      %dma_start3A_632 = arith.constant 0 : i32
      %dma_start3A_633 = tpu.memref_slice %dma_start3A_631[%dma_start3A_627, %dma_start3A_632] : memref<1x128xi32, #tpu.memory_space<vmem>> -> memref<1x128xi32, #tpu.memory_space<vmem>>
      %dma_start3A_634 = tpu.memref_squeeze %dma_start3A_633 : memref<1x128xi32, #tpu.memory_space<vmem>> -> memref<128xi32, #tpu.memory_space<vmem>>
      %dma_start3A_635 = arith.constant 0 : i32
      %dma_start3A_636 = arith.constant 0 : i32
      %dma_start3A_637 = tpu.memref_slice %arg10[%dma_start3A_635, %dma_start3A_636] : memref<10000x128xf32, #tpu.memory_space<vmem_shared>> -> memref<10000x128xf32, #tpu.memory_space<vmem_shared>>
      tpu.enqueue_indirect_dma source(%arg6 : memref<128x128xf32, #tpu.memory_space<vmem>>) target(%dma_start3A_637 : memref<10000x128xf32, #tpu.memory_space<vmem_shared>>) offsets(%dma_start3A_634 : memref<128xi32, #tpu.memory_space<vmem>>) semaphore(%arg15 : memref<!tpu.dma_semaphore, #tpu.memory_space<semaphore_mem>>) {add = true}
      %mul3A_638 = arith.constant 6 : i32
      %mul3A_639 = arith.muli %mul3A_638, %add3A_558 : i32
      %add3A_640 = arith.constant 2 : i32
      %add3A_641 = arith.addi %mul3A_639, %add3A_640 : i32
      %ge3A_642 = arith.constant 2 : i32
      %ge3A_643 = arith.cmpi sge, %add3A_641, %ge3A_642 : i32
      %convert_element_type3A_644 = arith.extui %ge3A_643 : i1 to i32
      %cond3A_645 = arith.constant 0 : i32
      %cond3A_646 = arith.cmpi ne, %convert_element_type3A_644, %cond3A_645 : i32
      scf.if %cond3A_646 {
        %dma_wait3A_779 = arith.constant 0 : i32
        %dma_wait3A_780 = arith.constant 0 : i32
        %dma_wait3A_781 = tpu.memref_slice %arg10[%dma_wait3A_779, %dma_wait3A_780] : memref<10000x128xf32, #tpu.memory_space<vmem_shared>> -> memref<128x128xf32, #tpu.memory_space<vmem_shared>>
        %dma_wait3A_782 = arith.constant 0 : i32
        %dma_wait3A_783 = arith.constant 0 : i32
        %dma_wait3A_784 = tpu.memref_slice %arg10[%dma_wait3A_782, %dma_wait3A_783] : memref<10000x128xf32, #tpu.memory_space<vmem_shared>> -> memref<128x128xf32, #tpu.memory_space<vmem_shared>>
        tpu.wait_dma2 semaphore(%arg15 : memref<!tpu.dma_semaphore, #tpu.memory_space<semaphore_mem>>) src(%arg5 : memref<128x128xf32, #tpu.memory_space<vmem>>) dst(%dma_wait3A_784 : memref<128x128xf32, #tpu.memory_space<vmem_shared>>)
      } else {
      }
      %add3A_647 = arith.constant 1 : i32
      %add3A_648 = arith.addi %add3A_641, %add3A_647 : i32
      %lt3A_649 = arith.constant 78 : i32
      %lt3A_650 = arith.cmpi slt, %add3A_648, %lt3A_649 : i32
      %convert_element_type3A_651 = arith.extui %lt3A_650 : i1 to i32
      %cond3A_652 = arith.constant 0 : i32
      %cond3A_653 = arith.cmpi ne, %convert_element_type3A_651, %cond3A_652 : i32
      scf.if %cond3A_653 {
        %add3A_779 = arith.constant 1 : i32
        %add3A_780 = arith.addi %add3A_641, %add3A_779 : i32
        %add3A_781 = arith.addi %add3A_4, %add3A_780 : i32
        %mul3A_782 = arith.constant 128 : i32
        %mul3A_783 = arith.muli %add3A_781, %mul3A_782 : i32
        %multiple_of3A_784 = tpu.assume_multiple %mul3A_783, 8 : i32
        %dma_start3A_785 = arith.constant 0 : i32
        %dma_start3A_786 = tpu.memref_slice %arg2[%multiple_of3A_784, %dma_start3A_785] : memref<320000x128xf32, #tpu.memory_space<hbm>> -> memref<128x128xf32, #tpu.memory_space<hbm>>
        %dma_start3A_787 = arith.constant 0 : i32
        %dma_start3A_788 = tpu.memref_slice %arg2[%multiple_of3A_784, %dma_start3A_787] : memref<320000x128xf32, #tpu.memory_space<hbm>> -> memref<128x128xf32, #tpu.memory_space<hbm>>
        tpu.enqueue_dma source(%dma_start3A_788 : memref<128x128xf32, #tpu.memory_space<hbm>>) target(%arg5 : memref<128x128xf32, #tpu.memory_space<vmem>>) target_semaphore(%arg11 : memref<!tpu.dma_semaphore, #tpu.memory_space<semaphore_mem>>)
      } else {
      }
      %lt3A_654 = arith.constant 12 : i32
      %lt3A_655 = arith.cmpi slt, %add3A_558, %lt3A_654 : i32
      %convert_element_type3A_656 = arith.extui %lt3A_655 : i1 to i32
      %cond3A_657 = arith.constant 0 : i32
      %cond3A_658 = arith.cmpi ne, %convert_element_type3A_656, %cond3A_657 : i32
      scf.if %cond3A_658 {
        %add3A_779 = arith.constant 1 : i32
        %add3A_780 = arith.addi %add3A_558, %add3A_779 : i32
        %mul3A_781 = arith.constant 6 : i32
        %mul3A_782 = arith.muli %mul3A_781, %add3A_780 : i32
        %add3A_783 = arith.addi %add3A_4, %mul3A_782 : i32
        %dma_start3A_784 = arith.constant 1 : i32
        %dma_start3A_785 = arith.constant 0 : i32
        %dma_start3A_786 = arith.constant 0 : i32
        %dma_start3A_787 = tpu.memref_slice %arg3[%dma_start3A_784, %add3A_783, %dma_start3A_785, %dma_start3A_786] : memref<2x2500x1x128xi32, #tpu.memory_space<hbm>> -> memref<1x6x1x128xi32, #tpu.memory_space<hbm>>
        %dma_start3A_788 = tpu.memref_squeeze %dma_start3A_787 : memref<1x6x1x128xi32, #tpu.memory_space<hbm>> -> memref<6x1x128xi32, #tpu.memory_space<hbm>>
        %dma_start3A_789 = arith.constant 0 : i32
        %dma_start3A_790 = arith.constant 0 : i32
        %dma_start3A_791 = tpu.memref_slice %arg3[%dma_start3A_784, %add3A_783, %dma_start3A_789, %dma_start3A_790] : memref<2x2500x1x128xi32, #tpu.memory_space<hbm>> -> memref<1x6x1x128xi32, #tpu.memory_space<hbm>>
        %dma_start3A_792 = tpu.memref_squeeze %dma_start3A_791 : memref<1x6x1x128xi32, #tpu.memory_space<hbm>> -> memref<6x1x128xi32, #tpu.memory_space<hbm>>
        tpu.enqueue_dma source(%dma_start3A_792 : memref<6x1x128xi32, #tpu.memory_space<hbm>>) target(%arg8 : memref<6x1x128xi32, #tpu.memory_space<vmem>>) target_semaphore(%arg14 : memref<!tpu.dma_semaphore, #tpu.memory_space<semaphore_mem>>)
      } else {
      }
      %dma_wait3A_659 = arith.constant 0 : i32
      %dma_wait3A_660 = arith.constant 0 : i32
      %dma_wait3A_661 = tpu.memref_slice %arg2[%dma_wait3A_659, %dma_wait3A_660] : memref<320000x128xf32, #tpu.memory_space<hbm>> -> memref<128x128xf32, #tpu.memory_space<hbm>>
      %dma_wait3A_662 = arith.constant 0 : i32
      %dma_wait3A_663 = arith.constant 0 : i32
      %dma_wait3A_664 = tpu.memref_slice %arg2[%dma_wait3A_662, %dma_wait3A_663] : memref<320000x128xf32, #tpu.memory_space<hbm>> -> memref<128x128xf32, #tpu.memory_space<hbm>>
      tpu.wait_dma2 semaphore(%arg13 : memref<!tpu.dma_semaphore, #tpu.memory_space<semaphore_mem>>) src(%dma_wait3A_664 : memref<128x128xf32, #tpu.memory_space<hbm>>) dst(%arg7 : memref<128x128xf32, #tpu.memory_space<vmem>>)
      %dma_start3A_665 = arith.constant 2 : i32
      %dma_start3A_666 = arith.constant 0 : i32
      %dma_start3A_667 = arith.constant 0 : i32
      %dma_start3A_668 = arith.constant 0 : i32
      %dma_start3A_669 = tpu.memref_slice %arg9[%dma_start3A_665, %dma_start3A_667, %dma_start3A_668] : memref<6x1x128xi32, #tpu.memory_space<vmem>> -> memref<1x1x128xi32, #tpu.memory_space<vmem>>
      %dma_start3A_670 = tpu.memref_squeeze %dma_start3A_669 : memref<1x1x128xi32, #tpu.memory_space<vmem>> -> memref<1x128xi32, #tpu.memory_space<vmem>>
      %dma_start3A_671 = arith.constant 0 : i32
      %dma_start3A_672 = tpu.memref_slice %dma_start3A_670[%dma_start3A_666, %dma_start3A_671] : memref<1x128xi32, #tpu.memory_space<vmem>> -> memref<1x128xi32, #tpu.memory_space<vmem>>
      %dma_start3A_673 = tpu.memref_squeeze %dma_start3A_672 : memref<1x128xi32, #tpu.memory_space<vmem>> -> memref<128xi32, #tpu.memory_space<vmem>>
      %dma_start3A_674 = arith.constant 0 : i32
      %dma_start3A_675 = arith.constant 0 : i32
      %dma_start3A_676 = tpu.memref_slice %arg10[%dma_start3A_674, %dma_start3A_675] : memref<10000x128xf32, #tpu.memory_space<vmem_shared>> -> memref<10000x128xf32, #tpu.memory_space<vmem_shared>>
      tpu.enqueue_indirect_dma source(%arg7 : memref<128x128xf32, #tpu.memory_space<vmem>>) target(%dma_start3A_676 : memref<10000x128xf32, #tpu.memory_space<vmem_shared>>) offsets(%dma_start3A_673 : memref<128xi32, #tpu.memory_space<vmem>>) semaphore(%arg15 : memref<!tpu.dma_semaphore, #tpu.memory_space<semaphore_mem>>) {add = true}
      %mul3A_677 = arith.constant 6 : i32
      %mul3A_678 = arith.muli %mul3A_677, %add3A_558 : i32
      %add3A_679 = arith.constant 3 : i32
      %add3A_680 = arith.addi %mul3A_678, %add3A_679 : i32
      %ge3A_681 = arith.constant 2 : i32
      %ge3A_682 = arith.cmpi sge, %add3A_680, %ge3A_681 : i32
      %convert_element_type3A_683 = arith.extui %ge3A_682 : i1 to i32
      %cond3A_684 = arith.constant 0 : i32
      %cond3A_685 = arith.cmpi ne, %convert_element_type3A_683, %cond3A_684 : i32
      scf.if %cond3A_685 {
        %dma_wait3A_779 = arith.constant 0 : i32
        %dma_wait3A_780 = arith.constant 0 : i32
        %dma_wait3A_781 = tpu.memref_slice %arg10[%dma_wait3A_779, %dma_wait3A_780] : memref<10000x128xf32, #tpu.memory_space<vmem_shared>> -> memref<128x128xf32, #tpu.memory_space<vmem_shared>>
        %dma_wait3A_782 = arith.constant 0 : i32
        %dma_wait3A_783 = arith.constant 0 : i32
        %dma_wait3A_784 = tpu.memref_slice %arg10[%dma_wait3A_782, %dma_wait3A_783] : memref<10000x128xf32, #tpu.memory_space<vmem_shared>> -> memref<128x128xf32, #tpu.memory_space<vmem_shared>>
        tpu.wait_dma2 semaphore(%arg15 : memref<!tpu.dma_semaphore, #tpu.memory_space<semaphore_mem>>) src(%arg5 : memref<128x128xf32, #tpu.memory_space<vmem>>) dst(%dma_wait3A_784 : memref<128x128xf32, #tpu.memory_space<vmem_shared>>)
      } else {
      }
      %add3A_686 = arith.constant 1 : i32
      %add3A_687 = arith.addi %add3A_680, %add3A_686 : i32
      %lt3A_688 = arith.constant 78 : i32
      %lt3A_689 = arith.cmpi slt, %add3A_687, %lt3A_688 : i32
      %convert_element_type3A_690 = arith.extui %lt3A_689 : i1 to i32
      %cond3A_691 = arith.constant 0 : i32
      %cond3A_692 = arith.cmpi ne, %convert_element_type3A_690, %cond3A_691 : i32
      scf.if %cond3A_692 {
        %add3A_779 = arith.constant 1 : i32
        %add3A_780 = arith.addi %add3A_680, %add3A_779 : i32
        %add3A_781 = arith.addi %add3A_4, %add3A_780 : i32
        %mul3A_782 = arith.constant 128 : i32
        %mul3A_783 = arith.muli %add3A_781, %mul3A_782 : i32
        %multiple_of3A_784 = tpu.assume_multiple %mul3A_783, 8 : i32
        %dma_start3A_785 = arith.constant 0 : i32
        %dma_start3A_786 = tpu.memref_slice %arg2[%multiple_of3A_784, %dma_start3A_785] : memref<320000x128xf32, #tpu.memory_space<hbm>> -> memref<128x128xf32, #tpu.memory_space<hbm>>
        %dma_start3A_787 = arith.constant 0 : i32
        %dma_start3A_788 = tpu.memref_slice %arg2[%multiple_of3A_784, %dma_start3A_787] : memref<320000x128xf32, #tpu.memory_space<hbm>> -> memref<128x128xf32, #tpu.memory_space<hbm>>
        tpu.enqueue_dma source(%dma_start3A_788 : memref<128x128xf32, #tpu.memory_space<hbm>>) target(%arg6 : memref<128x128xf32, #tpu.memory_space<vmem>>) target_semaphore(%arg12 : memref<!tpu.dma_semaphore, #tpu.memory_space<semaphore_mem>>)
      } else {
      }
      %dma_wait3A_693 = arith.constant 0 : i32
      %dma_wait3A_694 = arith.constant 0 : i32
      %dma_wait3A_695 = tpu.memref_slice %arg2[%dma_wait3A_693, %dma_wait3A_694] : memref<320000x128xf32, #tpu.memory_space<hbm>> -> memref<128x128xf32, #tpu.memory_space<hbm>>
      %dma_wait3A_696 = arith.constant 0 : i32
      %dma_wait3A_697 = arith.constant 0 : i32
      %dma_wait3A_698 = tpu.memref_slice %arg2[%dma_wait3A_696, %dma_wait3A_697] : memref<320000x128xf32, #tpu.memory_space<hbm>> -> memref<128x128xf32, #tpu.memory_space<hbm>>
      tpu.wait_dma2 semaphore(%arg11 : memref<!tpu.dma_semaphore, #tpu.memory_space<semaphore_mem>>) src(%dma_wait3A_698 : memref<128x128xf32, #tpu.memory_space<hbm>>) dst(%arg5 : memref<128x128xf32, #tpu.memory_space<vmem>>)
      %dma_start3A_699 = arith.constant 3 : i32
      %dma_start3A_700 = arith.constant 0 : i32
      %dma_start3A_701 = arith.constant 0 : i32
      %dma_start3A_702 = arith.constant 0 : i32
      %dma_start3A_703 = tpu.memref_slice %arg9[%dma_start3A_699, %dma_start3A_701, %dma_start3A_702] : memref<6x1x128xi32, #tpu.memory_space<vmem>> -> memref<1x1x128xi32, #tpu.memory_space<vmem>>
      %dma_start3A_704 = tpu.memref_squeeze %dma_start3A_703 : memref<1x1x128xi32, #tpu.memory_space<vmem>> -> memref<1x128xi32, #tpu.memory_space<vmem>>
      %dma_start3A_705 = arith.constant 0 : i32
      %dma_start3A_706 = tpu.memref_slice %dma_start3A_704[%dma_start3A_700, %dma_start3A_705] : memref<1x128xi32, #tpu.memory_space<vmem>> -> memref<1x128xi32, #tpu.memory_space<vmem>>
      %dma_start3A_707 = tpu.memref_squeeze %dma_start3A_706 : memref<1x128xi32, #tpu.memory_space<vmem>> -> memref<128xi32, #tpu.memory_space<vmem>>
      %dma_start3A_708 = arith.constant 0 : i32
      %dma_start3A_709 = arith.constant 0 : i32
      %dma_start3A_710 = tpu.memref_slice %arg10[%dma_start3A_708, %dma_start3A_709] : memref<10000x128xf32, #tpu.memory_space<vmem_shared>> -> memref<10000x128xf32, #tpu.memory_space<vmem_shared>>
      tpu.enqueue_indirect_dma source(%arg5 : memref<128x128xf32, #tpu.memory_space<vmem>>) target(%dma_start3A_710 : memref<10000x128xf32, #tpu.memory_space<vmem_shared>>) offsets(%dma_start3A_707 : memref<128xi32, #tpu.memory_space<vmem>>) semaphore(%arg15 : memref<!tpu.dma_semaphore, #tpu.memory_space<semaphore_mem>>) {add = true}
      %mul3A_711 = arith.constant 6 : i32
      %mul3A_712 = arith.muli %mul3A_711, %add3A_558 : i32
      %add3A_713 = arith.constant 4 : i32
      %add3A_714 = arith.addi %mul3A_712, %add3A_713 : i32
      %ge3A_715 = arith.constant 2 : i32
      %ge3A_716 = arith.cmpi sge, %add3A_714, %ge3A_715 : i32
      %convert_element_type3A_717 = arith.extui %ge3A_716 : i1 to i32
      %cond3A_718 = arith.constant 0 : i32
      %cond3A_719 = arith.cmpi ne, %convert_element_type3A_717, %cond3A_718 : i32
      scf.if %cond3A_719 {
        %dma_wait3A_779 = arith.constant 0 : i32
        %dma_wait3A_780 = arith.constant 0 : i32
        %dma_wait3A_781 = tpu.memref_slice %arg10[%dma_wait3A_779, %dma_wait3A_780] : memref<10000x128xf32, #tpu.memory_space<vmem_shared>> -> memref<128x128xf32, #tpu.memory_space<vmem_shared>>
        %dma_wait3A_782 = arith.constant 0 : i32
        %dma_wait3A_783 = arith.constant 0 : i32
        %dma_wait3A_784 = tpu.memref_slice %arg10[%dma_wait3A_782, %dma_wait3A_783] : memref<10000x128xf32, #tpu.memory_space<vmem_shared>> -> memref<128x128xf32, #tpu.memory_space<vmem_shared>>
        tpu.wait_dma2 semaphore(%arg15 : memref<!tpu.dma_semaphore, #tpu.memory_space<semaphore_mem>>) src(%arg5 : memref<128x128xf32, #tpu.memory_space<vmem>>) dst(%dma_wait3A_784 : memref<128x128xf32, #tpu.memory_space<vmem_shared>>)
      } else {
      }
      %add3A_720 = arith.constant 1 : i32
      %add3A_721 = arith.addi %add3A_714, %add3A_720 : i32
      %lt3A_722 = arith.constant 78 : i32
      %lt3A_723 = arith.cmpi slt, %add3A_721, %lt3A_722 : i32
      %convert_element_type3A_724 = arith.extui %lt3A_723 : i1 to i32
      %cond3A_725 = arith.constant 0 : i32
      %cond3A_726 = arith.cmpi ne, %convert_element_type3A_724, %cond3A_725 : i32
      scf.if %cond3A_726 {
        %add3A_779 = arith.constant 1 : i32
        %add3A_780 = arith.addi %add3A_714, %add3A_779 : i32
        %add3A_781 = arith.addi %add3A_4, %add3A_780 : i32
        %mul3A_782 = arith.constant 128 : i32
        %mul3A_783 = arith.muli %add3A_781, %mul3A_782 : i32
        %multiple_of3A_784 = tpu.assume_multiple %mul3A_783, 8 : i32
        %dma_start3A_785 = arith.constant 0 : i32
        %dma_start3A_786 = tpu.memref_slice %arg2[%multiple_of3A_784, %dma_start3A_785] : memref<320000x128xf32, #tpu.memory_space<hbm>> -> memref<128x128xf32, #tpu.memory_space<hbm>>
        %dma_start3A_787 = arith.constant 0 : i32
        %dma_start3A_788 = tpu.memref_slice %arg2[%multiple_of3A_784, %dma_start3A_787] : memref<320000x128xf32, #tpu.memory_space<hbm>> -> memref<128x128xf32, #tpu.memory_space<hbm>>
        tpu.enqueue_dma source(%dma_start3A_788 : memref<128x128xf32, #tpu.memory_space<hbm>>) target(%arg7 : memref<128x128xf32, #tpu.memory_space<vmem>>) target_semaphore(%arg13 : memref<!tpu.dma_semaphore, #tpu.memory_space<semaphore_mem>>)
      } else {
      }
      %dma_wait3A_727 = arith.constant 0 : i32
      %dma_wait3A_728 = arith.constant 0 : i32
      %dma_wait3A_729 = tpu.memref_slice %arg2[%dma_wait3A_727, %dma_wait3A_728] : memref<320000x128xf32, #tpu.memory_space<hbm>> -> memref<128x128xf32, #tpu.memory_space<hbm>>
      %dma_wait3A_730 = arith.constant 0 : i32
      %dma_wait3A_731 = arith.constant 0 : i32
      %dma_wait3A_732 = tpu.memref_slice %arg2[%dma_wait3A_730, %dma_wait3A_731] : memref<320000x128xf32, #tpu.memory_space<hbm>> -> memref<128x128xf32, #tpu.memory_space<hbm>>
      tpu.wait_dma2 semaphore(%arg12 : memref<!tpu.dma_semaphore, #tpu.memory_space<semaphore_mem>>) src(%dma_wait3A_732 : memref<128x128xf32, #tpu.memory_space<hbm>>) dst(%arg6 : memref<128x128xf32, #tpu.memory_space<vmem>>)
      %dma_start3A_733 = arith.constant 4 : i32
      %dma_start3A_734 = arith.constant 0 : i32
      %dma_start3A_735 = arith.constant 0 : i32
      %dma_start3A_736 = arith.constant 0 : i32
      %dma_start3A_737 = tpu.memref_slice %arg9[%dma_start3A_733, %dma_start3A_735, %dma_start3A_736] : memref<6x1x128xi32, #tpu.memory_space<vmem>> -> memref<1x1x128xi32, #tpu.memory_space<vmem>>
      %dma_start3A_738 = tpu.memref_squeeze %dma_start3A_737 : memref<1x1x128xi32, #tpu.memory_space<vmem>> -> memref<1x128xi32, #tpu.memory_space<vmem>>
      %dma_start3A_739 = arith.constant 0 : i32
      %dma_start3A_740 = tpu.memref_slice %dma_start3A_738[%dma_start3A_734, %dma_start3A_739] : memref<1x128xi32, #tpu.memory_space<vmem>> -> memref<1x128xi32, #tpu.memory_space<vmem>>
      %dma_start3A_741 = tpu.memref_squeeze %dma_start3A_740 : memref<1x128xi32, #tpu.memory_space<vmem>> -> memref<128xi32, #tpu.memory_space<vmem>>
      %dma_start3A_742 = arith.constant 0 : i32
      %dma_start3A_743 = arith.constant 0 : i32
      %dma_start3A_744 = tpu.memref_slice %arg10[%dma_start3A_742, %dma_start3A_743] : memref<10000x128xf32, #tpu.memory_space<vmem_shared>> -> memref<10000x128xf32, #tpu.memory_space<vmem_shared>>
      tpu.enqueue_indirect_dma source(%arg6 : memref<128x128xf32, #tpu.memory_space<vmem>>) target(%dma_start3A_744 : memref<10000x128xf32, #tpu.memory_space<vmem_shared>>) offsets(%dma_start3A_741 : memref<128xi32, #tpu.memory_space<vmem>>) semaphore(%arg15 : memref<!tpu.dma_semaphore, #tpu.memory_space<semaphore_mem>>) {add = true}
      %mul3A_745 = arith.constant 6 : i32
      %mul3A_746 = arith.muli %mul3A_745, %add3A_558 : i32
      %add3A_747 = arith.constant 5 : i32
      %add3A_748 = arith.addi %mul3A_746, %add3A_747 : i32
      %ge3A_749 = arith.constant 2 : i32
      %ge3A_750 = arith.cmpi sge, %add3A_748, %ge3A_749 : i32
      %convert_element_type3A_751 = arith.extui %ge3A_750 : i1 to i32
      %cond3A_752 = arith.constant 0 : i32
      %cond3A_753 = arith.cmpi ne, %convert_element_type3A_751, %cond3A_752 : i32
      scf.if %cond3A_753 {
        %dma_wait3A_779 = arith.constant 0 : i32
        %dma_wait3A_780 = arith.constant 0 : i32
        %dma_wait3A_781 = tpu.memref_slice %arg10[%dma_wait3A_779, %dma_wait3A_780] : memref<10000x128xf32, #tpu.memory_space<vmem_shared>> -> memref<128x128xf32, #tpu.memory_space<vmem_shared>>
        %dma_wait3A_782 = arith.constant 0 : i32
        %dma_wait3A_783 = arith.constant 0 : i32
        %dma_wait3A_784 = tpu.memref_slice %arg10[%dma_wait3A_782, %dma_wait3A_783] : memref<10000x128xf32, #tpu.memory_space<vmem_shared>> -> memref<128x128xf32, #tpu.memory_space<vmem_shared>>
        tpu.wait_dma2 semaphore(%arg15 : memref<!tpu.dma_semaphore, #tpu.memory_space<semaphore_mem>>) src(%arg5 : memref<128x128xf32, #tpu.memory_space<vmem>>) dst(%dma_wait3A_784 : memref<128x128xf32, #tpu.memory_space<vmem_shared>>)
      } else {
      }
      %add3A_754 = arith.constant 1 : i32
      %add3A_755 = arith.addi %add3A_748, %add3A_754 : i32
      %lt3A_756 = arith.constant 78 : i32
      %lt3A_757 = arith.cmpi slt, %add3A_755, %lt3A_756 : i32
      %convert_element_type3A_758 = arith.extui %lt3A_757 : i1 to i32
      %cond3A_759 = arith.constant 0 : i32
      %cond3A_760 = arith.cmpi ne, %convert_element_type3A_758, %cond3A_759 : i32
      scf.if %cond3A_760 {
        %add3A_779 = arith.constant 1 : i32
        %add3A_780 = arith.addi %add3A_748, %add3A_779 : i32
        %add3A_781 = arith.addi %add3A_4, %add3A_780 : i32
        %mul3A_782 = arith.constant 128 : i32
        %mul3A_783 = arith.muli %add3A_781, %mul3A_782 : i32
        %multiple_of3A_784 = tpu.assume_multiple %mul3A_783, 8 : i32
        %dma_start3A_785 = arith.constant 0 : i32
        %dma_start3A_786 = tpu.memref_slice %arg2[%multiple_of3A_784, %dma_start3A_785] : memref<320000x128xf32, #tpu.memory_space<hbm>> -> memref<128x128xf32, #tpu.memory_space<hbm>>
        %dma_start3A_787 = arith.constant 0 : i32
        %dma_start3A_788 = tpu.memref_slice %arg2[%multiple_of3A_784, %dma_start3A_787] : memref<320000x128xf32, #tpu.memory_space<hbm>> -> memref<128x128xf32, #tpu.memory_space<hbm>>
        tpu.enqueue_dma source(%dma_start3A_788 : memref<128x128xf32, #tpu.memory_space<hbm>>) target(%arg5 : memref<128x128xf32, #tpu.memory_space<vmem>>) target_semaphore(%arg11 : memref<!tpu.dma_semaphore, #tpu.memory_space<semaphore_mem>>)
      } else {
      }
      %dma_wait3A_761 = arith.constant 0 : i32
      %dma_wait3A_762 = arith.constant 0 : i32
      %dma_wait3A_763 = tpu.memref_slice %arg2[%dma_wait3A_761, %dma_wait3A_762] : memref<320000x128xf32, #tpu.memory_space<hbm>> -> memref<128x128xf32, #tpu.memory_space<hbm>>
      %dma_wait3A_764 = arith.constant 0 : i32
      %dma_wait3A_765 = arith.constant 0 : i32
      %dma_wait3A_766 = tpu.memref_slice %arg2[%dma_wait3A_764, %dma_wait3A_765] : memref<320000x128xf32, #tpu.memory_space<hbm>> -> memref<128x128xf32, #tpu.memory_space<hbm>>
      tpu.wait_dma2 semaphore(%arg13 : memref<!tpu.dma_semaphore, #tpu.memory_space<semaphore_mem>>) src(%dma_wait3A_766 : memref<128x128xf32, #tpu.memory_space<hbm>>) dst(%arg7 : memref<128x128xf32, #tpu.memory_space<vmem>>)
      %dma_start3A_767 = arith.constant 5 : i32
      %dma_start3A_768 = arith.constant 0 : i32
      %dma_start3A_769 = arith.constant 0 : i32
      %dma_start3A_770 = arith.constant 0 : i32
      %dma_start3A_771 = tpu.memref_slice %arg9[%dma_start3A_767, %dma_start3A_769, %dma_start3A_770] : memref<6x1x128xi32, #tpu.memory_space<vmem>> -> memref<1x1x128xi32, #tpu.memory_space<vmem>>
      %dma_start3A_772 = tpu.memref_squeeze %dma_start3A_771 : memref<1x1x128xi32, #tpu.memory_space<vmem>> -> memref<1x128xi32, #tpu.memory_space<vmem>>
      %dma_start3A_773 = arith.constant 0 : i32
      %dma_start3A_774 = tpu.memref_slice %dma_start3A_772[%dma_start3A_768, %dma_start3A_773] : memref<1x128xi32, #tpu.memory_space<vmem>> -> memref<1x128xi32, #tpu.memory_space<vmem>>
      %dma_start3A_775 = tpu.memref_squeeze %dma_start3A_774 : memref<1x128xi32, #tpu.memory_space<vmem>> -> memref<128xi32, #tpu.memory_space<vmem>>
      %dma_start3A_776 = arith.constant 0 : i32
      %dma_start3A_777 = arith.constant 0 : i32
      %dma_start3A_778 = tpu.memref_slice %arg10[%dma_start3A_776, %dma_start3A_777] : memref<10000x128xf32, #tpu.memory_space<vmem_shared>> -> memref<10000x128xf32, #tpu.memory_space<vmem_shared>>
      tpu.enqueue_indirect_dma source(%arg7 : memref<128x128xf32, #tpu.memory_space<vmem>>) target(%dma_start3A_778 : memref<10000x128xf32, #tpu.memory_space<vmem_shared>>) offsets(%dma_start3A_775 : memref<128xi32, #tpu.memory_space<vmem>>) semaphore(%arg15 : memref<!tpu.dma_semaphore, #tpu.memory_space<semaphore_mem>>) {add = true}
    }
    %scan3A_110 = arith.constant 6 : i32
    %dma_wait3A_111 = arith.constant 1 : i32
    %dma_wait3A_112 = arith.constant 0 : i32
    %dma_wait3A_113 = arith.constant 0 : i32
    %dma_wait3A_114 = arith.constant 0 : i32
    %dma_wait3A_115 = tpu.memref_slice %arg3[%dma_wait3A_111, %dma_wait3A_112, %dma_wait3A_113, %dma_wait3A_114] : memref<2x2500x1x128xi32, #tpu.memory_space<hbm>> -> memref<1x6x1x128xi32, #tpu.memory_space<hbm>>
    %dma_wait3A_116 = tpu.memref_squeeze %dma_wait3A_115 : memref<1x6x1x128xi32, #tpu.memory_space<hbm>> -> memref<6x1x128xi32, #tpu.memory_space<hbm>>
    %dma_wait3A_117 = arith.constant 0 : i32
    %dma_wait3A_118 = arith.constant 0 : i32
    %dma_wait3A_119 = arith.constant 0 : i32
    %dma_wait3A_120 = tpu.memref_slice %arg3[%dma_wait3A_111, %dma_wait3A_117, %dma_wait3A_118, %dma_wait3A_119] : memref<2x2500x1x128xi32, #tpu.memory_space<hbm>> -> memref<1x6x1x128xi32, #tpu.memory_space<hbm>>
    %dma_wait3A_121 = tpu.memref_squeeze %dma_wait3A_120 : memref<1x6x1x128xi32, #tpu.memory_space<hbm>> -> memref<6x1x128xi32, #tpu.memory_space<hbm>>
    tpu.wait_dma2 semaphore(%arg14 : memref<!tpu.dma_semaphore, #tpu.memory_space<semaphore_mem>>) src(%dma_wait3A_121 : memref<6x1x128xi32, #tpu.memory_space<hbm>>) dst(%arg8 : memref<6x1x128xi32, #tpu.memory_space<vmem>>)
    %dma_wait3A_122 = arith.constant 0 : i32
    %dma_wait3A_123 = arith.constant 0 : i32
    %dma_wait3A_124 = tpu.memref_slice %arg10[%dma_wait3A_122, %dma_wait3A_123] : memref<10000x128xf32, #tpu.memory_space<vmem_shared>> -> memref<128x128xf32, #tpu.memory_space<vmem_shared>>
    %dma_wait3A_125 = arith.constant 0 : i32
    %dma_wait3A_126 = arith.constant 0 : i32
    %dma_wait3A_127 = tpu.memref_slice %arg10[%dma_wait3A_125, %dma_wait3A_126] : memref<10000x128xf32, #tpu.memory_space<vmem_shared>> -> memref<128x128xf32, #tpu.memory_space<vmem_shared>>
    tpu.wait_dma2 semaphore(%arg15 : memref<!tpu.dma_semaphore, #tpu.memory_space<semaphore_mem>>) src(%arg5 : memref<128x128xf32, #tpu.memory_space<vmem>>) dst(%dma_wait3A_127 : memref<128x128xf32, #tpu.memory_space<vmem_shared>>)
    %add3A_128 = arith.constant 73 : i32
    %add3A_129 = arith.addi %add3A_4, %add3A_128 : i32
    %mul3A_130 = arith.constant 128 : i32
    %mul3A_131 = arith.muli %add3A_129, %mul3A_130 : i32
    %multiple_of3A_132 = tpu.assume_multiple %mul3A_131, 8 : i32
    %dma_start3A_133 = arith.constant 0 : i32
    %dma_start3A_134 = tpu.memref_slice %arg2[%multiple_of3A_132, %dma_start3A_133] : memref<320000x128xf32, #tpu.memory_space<hbm>> -> memref<128x128xf32, #tpu.memory_space<hbm>>
    %dma_start3A_135 = arith.constant 0 : i32
    %dma_start3A_136 = tpu.memref_slice %arg2[%multiple_of3A_132, %dma_start3A_135] : memref<320000x128xf32, #tpu.memory_space<hbm>> -> memref<128x128xf32, #tpu.memory_space<hbm>>
    tpu.enqueue_dma source(%dma_start3A_136 : memref<128x128xf32, #tpu.memory_space<hbm>>) target(%arg6 : memref<128x128xf32, #tpu.memory_space<vmem>>) target_semaphore(%arg12 : memref<!tpu.dma_semaphore, #tpu.memory_space<semaphore_mem>>)
    %dma_wait3A_137 = arith.constant 0 : i32
    %dma_wait3A_138 = arith.constant 0 : i32
    %dma_wait3A_139 = tpu.memref_slice %arg2[%dma_wait3A_137, %dma_wait3A_138] : memref<320000x128xf32, #tpu.memory_space<hbm>> -> memref<128x128xf32, #tpu.memory_space<hbm>>
    %dma_wait3A_140 = arith.constant 0 : i32
    %dma_wait3A_141 = arith.constant 0 : i32
    %dma_wait3A_142 = tpu.memref_slice %arg2[%dma_wait3A_140, %dma_wait3A_141] : memref<320000x128xf32, #tpu.memory_space<hbm>> -> memref<128x128xf32, #tpu.memory_space<hbm>>
    tpu.wait_dma2 semaphore(%arg11 : memref<!tpu.dma_semaphore, #tpu.memory_space<semaphore_mem>>) src(%dma_wait3A_142 : memref<128x128xf32, #tpu.memory_space<hbm>>) dst(%arg5 : memref<128x128xf32, #tpu.memory_space<vmem>>)
    %dma_start3A_143 = arith.constant 0 : i32
    %dma_start3A_144 = arith.constant 0 : i32
    %dma_start3A_145 = arith.constant 0 : i32
    %dma_start3A_146 = arith.constant 0 : i32
    %dma_start3A_147 = tpu.memref_slice %arg8[%dma_start3A_143, %dma_start3A_145, %dma_start3A_146] : memref<6x1x128xi32, #tpu.memory_space<vmem>> -> memref<1x1x128xi32, #tpu.memory_space<vmem>>
    %dma_start3A_148 = tpu.memref_squeeze %dma_start3A_147 : memref<1x1x128xi32, #tpu.memory_space<vmem>> -> memref<1x128xi32, #tpu.memory_space<vmem>>
    %dma_start3A_149 = arith.constant 0 : i32
    %dma_start3A_150 = tpu.memref_slice %dma_start3A_148[%dma_start3A_144, %dma_start3A_149] : memref<1x128xi32, #tpu.memory_space<vmem>> -> memref<1x128xi32, #tpu.memory_space<vmem>>
    %dma_start3A_151 = tpu.memref_squeeze %dma_start3A_150 : memref<1x128xi32, #tpu.memory_space<vmem>> -> memref<128xi32, #tpu.memory_space<vmem>>
    %dma_start3A_152 = arith.constant 0 : i32
    %dma_start3A_153 = arith.constant 0 : i32
    %dma_start3A_154 = tpu.memref_slice %arg10[%dma_start3A_152, %dma_start3A_153] : memref<10000x128xf32, #tpu.memory_space<vmem_shared>> -> memref<10000x128xf32, #tpu.memory_space<vmem_shared>>
    tpu.enqueue_indirect_dma source(%arg5 : memref<128x128xf32, #tpu.memory_space<vmem>>) target(%dma_start3A_154 : memref<10000x128xf32, #tpu.memory_space<vmem_shared>>) offsets(%dma_start3A_151 : memref<128xi32, #tpu.memory_space<vmem>>) semaphore(%arg15 : memref<!tpu.dma_semaphore, #tpu.memory_space<semaphore_mem>>) {add = true}
    %dma_wait3A_155 = arith.constant 0 : i32
    %dma_wait3A_156 = arith.constant 0 : i32
    %dma_wait3A_157 = tpu.memref_slice %arg10[%dma_wait3A_155, %dma_wait3A_156] : memref<10000x128xf32, #tpu.memory_space<vmem_shared>> -> memref<128x128xf32, #tpu.memory_space<vmem_shared>>
    %dma_wait3A_158 = arith.constant 0 : i32
    %dma_wait3A_159 = arith.constant 0 : i32
    %dma_wait3A_160 = tpu.memref_slice %arg10[%dma_wait3A_158, %dma_wait3A_159] : memref<10000x128xf32, #tpu.memory_space<vmem_shared>> -> memref<128x128xf32, #tpu.memory_space<vmem_shared>>
    tpu.wait_dma2 semaphore(%arg15 : memref<!tpu.dma_semaphore, #tpu.memory_space<semaphore_mem>>) src(%arg5 : memref<128x128xf32, #tpu.memory_space<vmem>>) dst(%dma_wait3A_160 : memref<128x128xf32, #tpu.memory_space<vmem_shared>>)
    %add3A_161 = arith.constant 74 : i32
    %add3A_162 = arith.addi %add3A_4, %add3A_161 : i32
    %mul3A_163 = arith.constant 128 : i32
    %mul3A_164 = arith.muli %add3A_162, %mul3A_163 : i32
    %multiple_of3A_165 = tpu.assume_multiple %mul3A_164, 8 : i32
    %dma_start3A_166 = arith.constant 0 : i32
    %dma_start3A_167 = tpu.memref_slice %arg2[%multiple_of3A_165, %dma_start3A_166] : memref<320000x128xf32, #tpu.memory_space<hbm>> -> memref<128x128xf32, #tpu.memory_space<hbm>>
    %dma_start3A_168 = arith.constant 0 : i32
    %dma_start3A_169 = tpu.memref_slice %arg2[%multiple_of3A_165, %dma_start3A_168] : memref<320000x128xf32, #tpu.memory_space<hbm>> -> memref<128x128xf32, #tpu.memory_space<hbm>>
    tpu.enqueue_dma source(%dma_start3A_169 : memref<128x128xf32, #tpu.memory_space<hbm>>) target(%arg7 : memref<128x128xf32, #tpu.memory_space<vmem>>) target_semaphore(%arg13 : memref<!tpu.dma_semaphore, #tpu.memory_space<semaphore_mem>>)
    %dma_wait3A_170 = arith.constant 0 : i32
    %dma_wait3A_171 = arith.constant 0 : i32
    %dma_wait3A_172 = tpu.memref_slice %arg2[%dma_wait3A_170, %dma_wait3A_171] : memref<320000x128xf32, #tpu.memory_space<hbm>> -> memref<128x128xf32, #tpu.memory_space<hbm>>
    %dma_wait3A_173 = arith.constant 0 : i32
    %dma_wait3A_174 = arith.constant 0 : i32
    %dma_wait3A_175 = tpu.memref_slice %arg2[%dma_wait3A_173, %dma_wait3A_174] : memref<320000x128xf32, #tpu.memory_space<hbm>> -> memref<128x128xf32, #tpu.memory_space<hbm>>
    tpu.wait_dma2 semaphore(%arg12 : memref<!tpu.dma_semaphore, #tpu.memory_space<semaphore_mem>>) src(%dma_wait3A_175 : memref<128x128xf32, #tpu.memory_space<hbm>>) dst(%arg6 : memref<128x128xf32, #tpu.memory_space<vmem>>)
    %dma_start3A_176 = arith.constant 1 : i32
    %dma_start3A_177 = arith.constant 0 : i32
    %dma_start3A_178 = arith.constant 0 : i32
    %dma_start3A_179 = arith.constant 0 : i32
    %dma_start3A_180 = tpu.memref_slice %arg8[%dma_start3A_176, %dma_start3A_178, %dma_start3A_179] : memref<6x1x128xi32, #tpu.memory_space<vmem>> -> memref<1x1x128xi32, #tpu.memory_space<vmem>>
    %dma_start3A_181 = tpu.memref_squeeze %dma_start3A_180 : memref<1x1x128xi32, #tpu.memory_space<vmem>> -> memref<1x128xi32, #tpu.memory_space<vmem>>
    %dma_start3A_182 = arith.constant 0 : i32
    %dma_start3A_183 = tpu.memref_slice %dma_start3A_181[%dma_start3A_177, %dma_start3A_182] : memref<1x128xi32, #tpu.memory_space<vmem>> -> memref<1x128xi32, #tpu.memory_space<vmem>>
    %dma_start3A_184 = tpu.memref_squeeze %dma_start3A_183 : memref<1x128xi32, #tpu.memory_space<vmem>> -> memref<128xi32, #tpu.memory_space<vmem>>
    %dma_start3A_185 = arith.constant 0 : i32
    %dma_start3A_186 = arith.constant 0 : i32
    %dma_start3A_187 = tpu.memref_slice %arg10[%dma_start3A_185, %dma_start3A_186] : memref<10000x128xf32, #tpu.memory_space<vmem_shared>> -> memref<10000x128xf32, #tpu.memory_space<vmem_shared>>
    tpu.enqueue_indirect_dma source(%arg6 : memref<128x128xf32, #tpu.memory_space<vmem>>) target(%dma_start3A_187 : memref<10000x128xf32, #tpu.memory_space<vmem_shared>>) offsets(%dma_start3A_184 : memref<128xi32, #tpu.memory_space<vmem>>) semaphore(%arg15 : memref<!tpu.dma_semaphore, #tpu.memory_space<semaphore_mem>>) {add = true}
    %dma_wait3A_188 = arith.constant 0 : i32
    %dma_wait3A_189 = arith.constant 0 : i32
    %dma_wait3A_190 = tpu.memref_slice %arg10[%dma_wait3A_188, %dma_wait3A_189] : memref<10000x128xf32, #tpu.memory_space<vmem_shared>> -> memref<128x128xf32, #tpu.memory_space<vmem_shared>>
    %dma_wait3A_191 = arith.constant 0 : i32
    %dma_wait3A_192 = arith.constant 0 : i32
    %dma_wait3A_193 = tpu.memref_slice %arg10[%dma_wait3A_191, %dma_wait3A_192] : memref<10000x128xf32, #tpu.memory_space<vmem_shared>> -> memref<128x128xf32, #tpu.memory_space<vmem_shared>>
    tpu.wait_dma2 semaphore(%arg15 : memref<!tpu.dma_semaphore, #tpu.memory_space<semaphore_mem>>) src(%arg5 : memref<128x128xf32, #tpu.memory_space<vmem>>) dst(%dma_wait3A_193 : memref<128x128xf32, #tpu.memory_space<vmem_shared>>)
    %add3A_194 = arith.constant 75 : i32
    %add3A_195 = arith.addi %add3A_4, %add3A_194 : i32
    %mul3A_196 = arith.constant 128 : i32
    %mul3A_197 = arith.muli %add3A_195, %mul3A_196 : i32
    %multiple_of3A_198 = tpu.assume_multiple %mul3A_197, 8 : i32
    %dma_start3A_199 = arith.constant 0 : i32
    %dma_start3A_200 = tpu.memref_slice %arg2[%multiple_of3A_198, %dma_start3A_199] : memref<320000x128xf32, #tpu.memory_space<hbm>> -> memref<128x128xf32, #tpu.memory_space<hbm>>
    %dma_start3A_201 = arith.constant 0 : i32
    %dma_start3A_202 = tpu.memref_slice %arg2[%multiple_of3A_198, %dma_start3A_201] : memref<320000x128xf32, #tpu.memory_space<hbm>> -> memref<128x128xf32, #tpu.memory_space<hbm>>
    tpu.enqueue_dma source(%dma_start3A_202 : memref<128x128xf32, #tpu.memory_space<hbm>>) target(%arg5 : memref<128x128xf32, #tpu.memory_space<vmem>>) target_semaphore(%arg11 : memref<!tpu.dma_semaphore, #tpu.memory_space<semaphore_mem>>)
    %dma_wait3A_203 = arith.constant 0 : i32
    %dma_wait3A_204 = arith.constant 0 : i32
    %dma_wait3A_205 = tpu.memref_slice %arg2[%dma_wait3A_203, %dma_wait3A_204] : memref<320000x128xf32, #tpu.memory_space<hbm>> -> memref<128x128xf32, #tpu.memory_space<hbm>>
    %dma_wait3A_206 = arith.constant 0 : i32
    %dma_wait3A_207 = arith.constant 0 : i32
    %dma_wait3A_208 = tpu.memref_slice %arg2[%dma_wait3A_206, %dma_wait3A_207] : memref<320000x128xf32, #tpu.memory_space<hbm>> -> memref<128x128xf32, #tpu.memory_space<hbm>>
    tpu.wait_dma2 semaphore(%arg13 : memref<!tpu.dma_semaphore, #tpu.memory_space<semaphore_mem>>) src(%dma_wait3A_208 : memref<128x128xf32, #tpu.memory_space<hbm>>) dst(%arg7 : memref<128x128xf32, #tpu.memory_space<vmem>>)
    %dma_start3A_209 = arith.constant 2 : i32
    %dma_start3A_210 = arith.constant 0 : i32
    %dma_start3A_211 = arith.constant 0 : i32
    %dma_start3A_212 = arith.constant 0 : i32
    %dma_start3A_213 = tpu.memref_slice %arg8[%dma_start3A_209, %dma_start3A_211, %dma_start3A_212] : memref<6x1x128xi32, #tpu.memory_space<vmem>> -> memref<1x1x128xi32, #tpu.memory_space<vmem>>
    %dma_start3A_214 = tpu.memref_squeeze %dma_start3A_213 : memref<1x1x128xi32, #tpu.memory_space<vmem>> -> memref<1x128xi32, #tpu.memory_space<vmem>>
    %dma_start3A_215 = arith.constant 0 : i32
    %dma_start3A_216 = tpu.memref_slice %dma_start3A_214[%dma_start3A_210, %dma_start3A_215] : memref<1x128xi32, #tpu.memory_space<vmem>> -> memref<1x128xi32, #tpu.memory_space<vmem>>
    %dma_start3A_217 = tpu.memref_squeeze %dma_start3A_216 : memref<1x128xi32, #tpu.memory_space<vmem>> -> memref<128xi32, #tpu.memory_space<vmem>>
    %dma_start3A_218 = arith.constant 0 : i32
    %dma_start3A_219 = arith.constant 0 : i32
    %dma_start3A_220 = tpu.memref_slice %arg10[%dma_start3A_218, %dma_start3A_219] : memref<10000x128xf32, #tpu.memory_space<vmem_shared>> -> memref<10000x128xf32, #tpu.memory_space<vmem_shared>>
    tpu.enqueue_indirect_dma source(%arg7 : memref<128x128xf32, #tpu.memory_space<vmem>>) target(%dma_start3A_220 : memref<10000x128xf32, #tpu.memory_space<vmem_shared>>) offsets(%dma_start3A_217 : memref<128xi32, #tpu.memory_space<vmem>>) semaphore(%arg15 : memref<!tpu.dma_semaphore, #tpu.memory_space<semaphore_mem>>) {add = true}
    %dma_wait3A_221 = arith.constant 0 : i32
    %dma_wait3A_222 = arith.constant 0 : i32
    %dma_wait3A_223 = tpu.memref_slice %arg10[%dma_wait3A_221, %dma_wait3A_222] : memref<10000x128xf32, #tpu.memory_space<vmem_shared>> -> memref<128x128xf32, #tpu.memory_space<vmem_shared>>
    %dma_wait3A_224 = arith.constant 0 : i32
    %dma_wait3A_225 = arith.constant 0 : i32
    %dma_wait3A_226 = tpu.memref_slice %arg10[%dma_wait3A_224, %dma_wait3A_225] : memref<10000x128xf32, #tpu.memory_space<vmem_shared>> -> memref<128x128xf32, #tpu.memory_space<vmem_shared>>
    tpu.wait_dma2 semaphore(%arg15 : memref<!tpu.dma_semaphore, #tpu.memory_space<semaphore_mem>>) src(%arg5 : memref<128x128xf32, #tpu.memory_space<vmem>>) dst(%dma_wait3A_226 : memref<128x128xf32, #tpu.memory_space<vmem_shared>>)
    %add3A_227 = arith.constant 76 : i32
    %add3A_228 = arith.addi %add3A_4, %add3A_227 : i32
    %mul3A_229 = arith.constant 128 : i32
    %mul3A_230 = arith.muli %add3A_228, %mul3A_229 : i32
    %multiple_of3A_231 = tpu.assume_multiple %mul3A_230, 8 : i32
    %dma_start3A_232 = arith.constant 0 : i32
    %dma_start3A_233 = tpu.memref_slice %arg2[%multiple_of3A_231, %dma_start3A_232] : memref<320000x128xf32, #tpu.memory_space<hbm>> -> memref<128x128xf32, #tpu.memory_space<hbm>>
    %dma_start3A_234 = arith.constant 0 : i32
    %dma_start3A_235 = tpu.memref_slice %arg2[%multiple_of3A_231, %dma_start3A_234] : memref<320000x128xf32, #tpu.memory_space<hbm>> -> memref<128x128xf32, #tpu.memory_space<hbm>>
    tpu.enqueue_dma source(%dma_start3A_235 : memref<128x128xf32, #tpu.memory_space<hbm>>) target(%arg6 : memref<128x128xf32, #tpu.memory_space<vmem>>) target_semaphore(%arg12 : memref<!tpu.dma_semaphore, #tpu.memory_space<semaphore_mem>>)
    %dma_wait3A_236 = arith.constant 0 : i32
    %dma_wait3A_237 = arith.constant 0 : i32
    %dma_wait3A_238 = tpu.memref_slice %arg2[%dma_wait3A_236, %dma_wait3A_237] : memref<320000x128xf32, #tpu.memory_space<hbm>> -> memref<128x128xf32, #tpu.memory_space<hbm>>
    %dma_wait3A_239 = arith.constant 0 : i32
    %dma_wait3A_240 = arith.constant 0 : i32
    %dma_wait3A_241 = tpu.memref_slice %arg2[%dma_wait3A_239, %dma_wait3A_240] : memref<320000x128xf32, #tpu.memory_space<hbm>> -> memref<128x128xf32, #tpu.memory_space<hbm>>
    tpu.wait_dma2 semaphore(%arg11 : memref<!tpu.dma_semaphore, #tpu.memory_space<semaphore_mem>>) src(%dma_wait3A_241 : memref<128x128xf32, #tpu.memory_space<hbm>>) dst(%arg5 : memref<128x128xf32, #tpu.memory_space<vmem>>)
    %dma_start3A_242 = arith.constant 3 : i32
    %dma_start3A_243 = arith.constant 0 : i32
    %dma_start3A_244 = arith.constant 0 : i32
    %dma_start3A_245 = arith.constant 0 : i32
    %dma_start3A_246 = tpu.memref_slice %arg8[%dma_start3A_242, %dma_start3A_244, %dma_start3A_245] : memref<6x1x128xi32, #tpu.memory_space<vmem>> -> memref<1x1x128xi32, #tpu.memory_space<vmem>>
    %dma_start3A_247 = tpu.memref_squeeze %dma_start3A_246 : memref<1x1x128xi32, #tpu.memory_space<vmem>> -> memref<1x128xi32, #tpu.memory_space<vmem>>
    %dma_start3A_248 = arith.constant 0 : i32
    %dma_start3A_249 = tpu.memref_slice %dma_start3A_247[%dma_start3A_243, %dma_start3A_248] : memref<1x128xi32, #tpu.memory_space<vmem>> -> memref<1x128xi32, #tpu.memory_space<vmem>>
    %dma_start3A_250 = tpu.memref_squeeze %dma_start3A_249 : memref<1x128xi32, #tpu.memory_space<vmem>> -> memref<128xi32, #tpu.memory_space<vmem>>
    %dma_start3A_251 = arith.constant 0 : i32
    %dma_start3A_252 = arith.constant 0 : i32
    %dma_start3A_253 = tpu.memref_slice %arg10[%dma_start3A_251, %dma_start3A_252] : memref<10000x128xf32, #tpu.memory_space<vmem_shared>> -> memref<10000x128xf32, #tpu.memory_space<vmem_shared>>
    tpu.enqueue_indirect_dma source(%arg5 : memref<128x128xf32, #tpu.memory_space<vmem>>) target(%dma_start3A_253 : memref<10000x128xf32, #tpu.memory_space<vmem_shared>>) offsets(%dma_start3A_250 : memref<128xi32, #tpu.memory_space<vmem>>) semaphore(%arg15 : memref<!tpu.dma_semaphore, #tpu.memory_space<semaphore_mem>>) {add = true}
    %dma_wait3A_254 = arith.constant 0 : i32
    %dma_wait3A_255 = arith.constant 0 : i32
    %dma_wait3A_256 = tpu.memref_slice %arg10[%dma_wait3A_254, %dma_wait3A_255] : memref<10000x128xf32, #tpu.memory_space<vmem_shared>> -> memref<128x128xf32, #tpu.memory_space<vmem_shared>>
    %dma_wait3A_257 = arith.constant 0 : i32
    %dma_wait3A_258 = arith.constant 0 : i32
    %dma_wait3A_259 = tpu.memref_slice %arg10[%dma_wait3A_257, %dma_wait3A_258] : memref<10000x128xf32, #tpu.memory_space<vmem_shared>> -> memref<128x128xf32, #tpu.memory_space<vmem_shared>>
    tpu.wait_dma2 semaphore(%arg15 : memref<!tpu.dma_semaphore, #tpu.memory_space<semaphore_mem>>) src(%arg5 : memref<128x128xf32, #tpu.memory_space<vmem>>) dst(%dma_wait3A_259 : memref<128x128xf32, #tpu.memory_space<vmem_shared>>)
    %add3A_260 = arith.constant 77 : i32
    %add3A_261 = arith.addi %add3A_4, %add3A_260 : i32
    %mul3A_262 = arith.constant 128 : i32
    %mul3A_263 = arith.muli %add3A_261, %mul3A_262 : i32
    %multiple_of3A_264 = tpu.assume_multiple %mul3A_263, 8 : i32
    %dma_start3A_265 = arith.constant 0 : i32
    %dma_start3A_266 = tpu.memref_slice %arg2[%multiple_of3A_264, %dma_start3A_265] : memref<320000x128xf32, #tpu.memory_space<hbm>> -> memref<128x128xf32, #tpu.memory_space<hbm>>
    %dma_start3A_267 = arith.constant 0 : i32
    %dma_start3A_268 = tpu.memref_slice %arg2[%multiple_of3A_264, %dma_start3A_267] : memref<320000x128xf32, #tpu.memory_space<hbm>> -> memref<128x128xf32, #tpu.memory_space<hbm>>
    tpu.enqueue_dma source(%dma_start3A_268 : memref<128x128xf32, #tpu.memory_space<hbm>>) target(%arg7 : memref<128x128xf32, #tpu.memory_space<vmem>>) target_semaphore(%arg13 : memref<!tpu.dma_semaphore, #tpu.memory_space<semaphore_mem>>)
    %dma_wait3A_269 = arith.constant 0 : i32
    %dma_wait3A_270 = arith.constant 0 : i32
    %dma_wait3A_271 = tpu.memref_slice %arg2[%dma_wait3A_269, %dma_wait3A_270] : memref<320000x128xf32, #tpu.memory_space<hbm>> -> memref<128x128xf32, #tpu.memory_space<hbm>>
    %dma_wait3A_272 = arith.constant 0 : i32
    %dma_wait3A_273 = arith.constant 0 : i32
    %dma_wait3A_274 = tpu.memref_slice %arg2[%dma_wait3A_272, %dma_wait3A_273] : memref<320000x128xf32, #tpu.memory_space<hbm>> -> memref<128x128xf32, #tpu.memory_space<hbm>>
    tpu.wait_dma2 semaphore(%arg12 : memref<!tpu.dma_semaphore, #tpu.memory_space<semaphore_mem>>) src(%dma_wait3A_274 : memref<128x128xf32, #tpu.memory_space<hbm>>) dst(%arg6 : memref<128x128xf32, #tpu.memory_space<vmem>>)
    %dma_start3A_275 = arith.constant 4 : i32
    %dma_start3A_276 = arith.constant 0 : i32
    %dma_start3A_277 = arith.constant 0 : i32
    %dma_start3A_278 = arith.constant 0 : i32
    %dma_start3A_279 = tpu.memref_slice %arg8[%dma_start3A_275, %dma_start3A_277, %dma_start3A_278] : memref<6x1x128xi32, #tpu.memory_space<vmem>> -> memref<1x1x128xi32, #tpu.memory_space<vmem>>
    %dma_start3A_280 = tpu.memref_squeeze %dma_start3A_279 : memref<1x1x128xi32, #tpu.memory_space<vmem>> -> memref<1x128xi32, #tpu.memory_space<vmem>>
    %dma_start3A_281 = arith.constant 0 : i32
    %dma_start3A_282 = tpu.memref_slice %dma_start3A_280[%dma_start3A_276, %dma_start3A_281] : memref<1x128xi32, #tpu.memory_space<vmem>> -> memref<1x128xi32, #tpu.memory_space<vmem>>
    %dma_start3A_283 = tpu.memref_squeeze %dma_start3A_282 : memref<1x128xi32, #tpu.memory_space<vmem>> -> memref<128xi32, #tpu.memory_space<vmem>>
    %dma_start3A_284 = arith.constant 0 : i32
    %dma_start3A_285 = arith.constant 0 : i32
    %dma_start3A_286 = tpu.memref_slice %arg10[%dma_start3A_284, %dma_start3A_285] : memref<10000x128xf32, #tpu.memory_space<vmem_shared>> -> memref<10000x128xf32, #tpu.memory_space<vmem_shared>>
    tpu.enqueue_indirect_dma source(%arg6 : memref<128x128xf32, #tpu.memory_space<vmem>>) target(%dma_start3A_286 : memref<10000x128xf32, #tpu.memory_space<vmem_shared>>) offsets(%dma_start3A_283 : memref<128xi32, #tpu.memory_space<vmem>>) semaphore(%arg15 : memref<!tpu.dma_semaphore, #tpu.memory_space<semaphore_mem>>) {add = true}
    %dma_wait3A_287 = arith.constant 0 : i32
    %dma_wait3A_288 = arith.constant 0 : i32
    %dma_wait3A_289 = tpu.memref_slice %arg10[%dma_wait3A_287, %dma_wait3A_288] : memref<10000x128xf32, #tpu.memory_space<vmem_shared>> -> memref<128x128xf32, #tpu.memory_space<vmem_shared>>
    %dma_wait3A_290 = arith.constant 0 : i32
    %dma_wait3A_291 = arith.constant 0 : i32
    %dma_wait3A_292 = tpu.memref_slice %arg10[%dma_wait3A_290, %dma_wait3A_291] : memref<10000x128xf32, #tpu.memory_space<vmem_shared>> -> memref<128x128xf32, #tpu.memory_space<vmem_shared>>
    tpu.wait_dma2 semaphore(%arg15 : memref<!tpu.dma_semaphore, #tpu.memory_space<semaphore_mem>>) src(%arg5 : memref<128x128xf32, #tpu.memory_space<vmem>>) dst(%dma_wait3A_292 : memref<128x128xf32, #tpu.memory_space<vmem_shared>>)
    %dma_wait3A_293 = arith.constant 0 : i32
    %dma_wait3A_294 = arith.constant 0 : i32
    %dma_wait3A_295 = tpu.memref_slice %arg2[%dma_wait3A_293, %dma_wait3A_294] : memref<320000x128xf32, #tpu.memory_space<hbm>> -> memref<128x128xf32, #tpu.memory_space<hbm>>
    %dma_wait3A_296 = arith.constant 0 : i32
    %dma_wait3A_297 = arith.constant 0 : i32
    %dma_wait3A_298 = tpu.memref_slice %arg2[%dma_wait3A_296, %dma_wait3A_297] : memref<320000x128xf32, #tpu.memory_space<hbm>> -> memref<128x128xf32, #tpu.memory_space<hbm>>
    tpu.wait_dma2 semaphore(%arg13 : memref<!tpu.dma_semaphore, #tpu.memory_space<semaphore_mem>>) src(%dma_wait3A_298 : memref<128x128xf32, #tpu.memory_space<hbm>>) dst(%arg7 : memref<128x128xf32, #tpu.memory_space<vmem>>)
    %dma_start3A_299 = arith.constant 5 : i32
    %dma_start3A_300 = arith.constant 0 : i32
    %dma_start3A_301 = arith.constant 0 : i32
    %dma_start3A_302 = arith.constant 0 : i32
    %dma_start3A_303 = tpu.memref_slice %arg8[%dma_start3A_299, %dma_start3A_301, %dma_start3A_302] : memref<6x1x128xi32, #tpu.memory_space<vmem>> -> memref<1x1x128xi32, #tpu.memory_space<vmem>>
    %dma_start3A_304 = tpu.memref_squeeze %dma_start3A_303 : memref<1x1x128xi32, #tpu.memory_space<vmem>> -> memref<1x128xi32, #tpu.memory_space<vmem>>
    %dma_start3A_305 = arith.constant 0 : i32
    %dma_start3A_306 = tpu.memref_slice %dma_start3A_304[%dma_start3A_300, %dma_start3A_305] : memref<1x128xi32, #tpu.memory_space<vmem>> -> memref<1x128xi32, #tpu.memory_space<vmem>>
    %dma_start3A_307 = tpu.memref_squeeze %dma_start3A_306 : memref<1x128xi32, #tpu.memory_space<vmem>> -> memref<128xi32, #tpu.memory_space<vmem>>
    %dma_start3A_308 = arith.constant 0 : i32
    %dma_start3A_309 = arith.constant 0 : i32
    %dma_start3A_310 = tpu.memref_slice %arg10[%dma_start3A_308, %dma_start3A_309] : memref<10000x128xf32, #tpu.memory_space<vmem_shared>> -> memref<10000x128xf32, #tpu.memory_space<vmem_shared>>
    tpu.enqueue_indirect_dma source(%arg7 : memref<128x128xf32, #tpu.memory_space<vmem>>) target(%dma_start3A_310 : memref<10000x128xf32, #tpu.memory_space<vmem_shared>>) offsets(%dma_start3A_307 : memref<128xi32, #tpu.memory_space<vmem>>) semaphore(%arg15 : memref<!tpu.dma_semaphore, #tpu.memory_space<semaphore_mem>>) {add = true}
    %dma_wait3A_311 = arith.constant 0 : i32
    %dma_wait3A_312 = arith.constant 0 : i32
    %dma_wait3A_313 = tpu.memref_slice %arg10[%dma_wait3A_311, %dma_wait3A_312] : memref<10000x128xf32, #tpu.memory_space<vmem_shared>> -> memref<128x128xf32, #tpu.memory_space<vmem_shared>>
    %dma_wait3A_314 = arith.constant 0 : i32
    %dma_wait3A_315 = arith.constant 0 : i32
    %dma_wait3A_316 = tpu.memref_slice %arg10[%dma_wait3A_314, %dma_wait3A_315] : memref<10000x128xf32, #tpu.memory_space<vmem_shared>> -> memref<128x128xf32, #tpu.memory_space<vmem_shared>>
    tpu.wait_dma2 semaphore(%arg15 : memref<!tpu.dma_semaphore, #tpu.memory_space<semaphore_mem>>) src(%arg5 : memref<128x128xf32, #tpu.memory_space<vmem>>) dst(%dma_wait3A_316 : memref<128x128xf32, #tpu.memory_space<vmem_shared>>)
    %dma_wait3A_317 = arith.constant 0 : i32
    %dma_wait3A_318 = arith.constant 0 : i32
    %dma_wait3A_319 = tpu.memref_slice %arg10[%dma_wait3A_317, %dma_wait3A_318] : memref<10000x128xf32, #tpu.memory_space<vmem_shared>> -> memref<128x128xf32, #tpu.memory_space<vmem_shared>>
    %dma_wait3A_320 = arith.constant 0 : i32
    %dma_wait3A_321 = arith.constant 0 : i32
    %dma_wait3A_322 = tpu.memref_slice %arg10[%dma_wait3A_320, %dma_wait3A_321] : memref<10000x128xf32, #tpu.memory_space<vmem_shared>> -> memref<128x128xf32, #tpu.memory_space<vmem_shared>>
    tpu.wait_dma2 semaphore(%arg15 : memref<!tpu.dma_semaphore, #tpu.memory_space<semaphore_mem>>) src(%arg5 : memref<128x128xf32, #tpu.memory_space<vmem>>) dst(%dma_wait3A_322 : memref<128x128xf32, #tpu.memory_space<vmem_shared>>)
    %lt3A = arith.constant 2 : i32
    %lt3A_323 = arith.cmpi slt, %arg1, %lt3A : i32
    %convert_element_type3A_324 = arith.extui %lt3A_323 : i1 to i32
    %cond3A_325 = arith.constant 0 : i32
    %cond3A_326 = arith.cmpi ne, %convert_element_type3A_324, %cond3A_325 : i32
    scf.if %cond3A_326 {
      %add3A_333 = arith.constant 78 : i32
      %add3A_334 = arith.addi %add3A_4, %add3A_333 : i32
      %run_scoped3A = arith.constant 1 : i32
      "tpu.region"() ({
        %run_scoped3A_352 = tpu.sem_alloc : memref<!tpu.dma_semaphore, #tpu.memory_space<semaphore_mem>>
        %dma_start3A_353 = arith.constant 0 : i32
        %dma_start3A_354 = arith.constant 0 : i32
        %dma_start3A_355 = arith.constant 0 : i32
        %dma_start3A_356 = tpu.memref_slice %arg9[%dma_start3A_353, %dma_start3A_354, %dma_start3A_355] : memref<6x1x128xi32, #tpu.memory_space<vmem>> -> memref<1x1x128xi32, #tpu.memory_space<vmem>>
        %dma_start3A_357 = arith.constant 0 : i32
        %dma_start3A_358 = arith.constant 0 : i32
        %dma_start3A_359 = tpu.memref_slice %arg3[%run_scoped3A, %add3A_334, %dma_start3A_357, %dma_start3A_358] : memref<2x2500x1x128xi32, #tpu.memory_space<hbm>> -> memref<1x1x1x128xi32, #tpu.memory_space<hbm>>
        %dma_start3A_360 = tpu.memref_squeeze %dma_start3A_359 : memref<1x1x1x128xi32, #tpu.memory_space<hbm>> -> memref<1x1x128xi32, #tpu.memory_space<hbm>>
        %dma_start3A_361 = arith.constant 0 : i32
        %dma_start3A_362 = arith.constant 0 : i32
        %dma_start3A_363 = arith.constant 0 : i32
        %dma_start3A_364 = tpu.memref_slice %arg9[%dma_start3A_361, %dma_start3A_362, %dma_start3A_363] : memref<6x1x128xi32, #tpu.memory_space<vmem>> -> memref<1x1x128xi32, #tpu.memory_space<vmem>>
        %dma_start3A_365 = arith.constant 0 : i32
        %dma_start3A_366 = arith.constant 0 : i32
        %dma_start3A_367 = tpu.memref_slice %arg3[%run_scoped3A, %add3A_334, %dma_start3A_365, %dma_start3A_366] : memref<2x2500x1x128xi32, #tpu.memory_space<hbm>> -> memref<1x1x1x128xi32, #tpu.memory_space<hbm>>
        %dma_start3A_368 = tpu.memref_squeeze %dma_start3A_367 : memref<1x1x1x128xi32, #tpu.memory_space<hbm>> -> memref<1x1x128xi32, #tpu.memory_space<hbm>>
        tpu.enqueue_dma source(%dma_start3A_368 : memref<1x1x128xi32, #tpu.memory_space<hbm>>) target(%dma_start3A_364 : memref<1x1x128xi32, #tpu.memory_space<vmem>>) target_semaphore(%run_scoped3A_352 : memref<!tpu.dma_semaphore, #tpu.memory_space<semaphore_mem>>)
        %dma_wait3A_369 = arith.constant 0 : i32
        %dma_wait3A_370 = arith.constant 0 : i32
        %dma_wait3A_371 = arith.constant 0 : i32
        %dma_wait3A_372 = tpu.memref_slice %arg9[%dma_wait3A_369, %dma_wait3A_370, %dma_wait3A_371] : memref<6x1x128xi32, #tpu.memory_space<vmem>> -> memref<1x1x128xi32, #tpu.memory_space<vmem>>
        %dma_wait3A_373 = arith.constant 0 : i32
        %dma_wait3A_374 = arith.constant 0 : i32
        %dma_wait3A_375 = tpu.memref_slice %arg3[%run_scoped3A, %add3A_334, %dma_wait3A_373, %dma_wait3A_374] : memref<2x2500x1x128xi32, #tpu.memory_space<hbm>> -> memref<1x1x1x128xi32, #tpu.memory_space<hbm>>
        %dma_wait3A_376 = tpu.memref_squeeze %dma_wait3A_375 : memref<1x1x1x128xi32, #tpu.memory_space<hbm>> -> memref<1x1x128xi32, #tpu.memory_space<hbm>>
        %dma_wait3A_377 = arith.constant 0 : i32
        %dma_wait3A_378 = arith.constant 0 : i32
        %dma_wait3A_379 = arith.constant 0 : i32
        %dma_wait3A_380 = tpu.memref_slice %arg9[%dma_wait3A_377, %dma_wait3A_378, %dma_wait3A_379] : memref<6x1x128xi32, #tpu.memory_space<vmem>> -> memref<1x1x128xi32, #tpu.memory_space<vmem>>
        %dma_wait3A_381 = arith.constant 0 : i32
        %dma_wait3A_382 = arith.constant 0 : i32
        %dma_wait3A_383 = tpu.memref_slice %arg3[%run_scoped3A, %add3A_334, %dma_wait3A_381, %dma_wait3A_382] : memref<2x2500x1x128xi32, #tpu.memory_space<hbm>> -> memref<1x1x1x128xi32, #tpu.memory_space<hbm>>
        %dma_wait3A_384 = tpu.memref_squeeze %dma_wait3A_383 : memref<1x1x1x128xi32, #tpu.memory_space<hbm>> -> memref<1x1x128xi32, #tpu.memory_space<hbm>>
        tpu.wait_dma2 semaphore(%run_scoped3A_352 : memref<!tpu.dma_semaphore, #tpu.memory_space<semaphore_mem>>) src(%dma_wait3A_384 : memref<1x1x128xi32, #tpu.memory_space<hbm>>) dst(%dma_wait3A_380 : memref<1x1x128xi32, #tpu.memory_space<vmem>>)
        tpu.yield
      }) : () -> ()
      %add3A_335 = arith.constant 78 : i32
      %add3A_336 = arith.addi %add3A_4, %add3A_335 : i32
      %mul3A_337 = arith.constant 128 : i32
      %mul3A_338 = arith.muli %add3A_336, %mul3A_337 : i32
      %multiple_of3A_339 = tpu.assume_multiple %mul3A_338, 8 : i32
      %dma_start3A_340 = arith.constant 0 : i32
      %dma_start3A_341 = tpu.memref_slice %arg2[%multiple_of3A_339, %dma_start3A_340] : memref<320000x128xf32, #tpu.memory_space<hbm>> -> memref<128x128xf32, #tpu.memory_space<hbm>>
      %dma_start3A_342 = arith.constant 0 : i32
      %dma_start3A_343 = tpu.memref_slice %arg2[%multiple_of3A_339, %dma_start3A_342] : memref<320000x128xf32, #tpu.memory_space<hbm>> -> memref<128x128xf32, #tpu.memory_space<hbm>>
      tpu.enqueue_dma source(%dma_start3A_343 : memref<128x128xf32, #tpu.memory_space<hbm>>) target(%arg5 : memref<128x128xf32, #tpu.memory_space<vmem>>) target_semaphore(%arg11 : memref<!tpu.dma_semaphore, #tpu.memory_space<semaphore_mem>>)
      %dma_wait3A_344 = arith.constant 0 : i32
      %dma_wait3A_345 = arith.constant 0 : i32
      %dma_wait3A_346 = tpu.memref_slice %arg2[%dma_wait3A_344, %dma_wait3A_345] : memref<320000x128xf32, #tpu.memory_space<hbm>> -> memref<128x128xf32, #tpu.memory_space<hbm>>
      %dma_wait3A_347 = arith.constant 0 : i32
      %dma_wait3A_348 = arith.constant 0 : i32
      %dma_wait3A_349 = tpu.memref_slice %arg2[%dma_wait3A_347, %dma_wait3A_348] : memref<320000x128xf32, #tpu.memory_space<hbm>> -> memref<128x128xf32, #tpu.memory_space<hbm>>
      tpu.wait_dma2 semaphore(%arg11 : memref<!tpu.dma_semaphore, #tpu.memory_space<semaphore_mem>>) src(%dma_wait3A_349 : memref<128x128xf32, #tpu.memory_space<hbm>>) dst(%arg5 : memref<128x128xf32, #tpu.memory_space<vmem>>)
      %run_scoped3A_350 = arith.constant 0 : i32
      %run_scoped3A_351 = arith.constant 0 : i32
      "tpu.region"() ({
        %run_scoped3A_352 = tpu.sem_alloc : memref<!tpu.dma_semaphore, #tpu.memory_space<semaphore_mem>>
        %dma_start3A_353 = arith.constant 0 : i32
        %dma_start3A_354 = arith.constant 0 : i32
        %dma_start3A_355 = tpu.memref_slice %arg9[%run_scoped3A_350, %dma_start3A_353, %dma_start3A_354] : memref<6x1x128xi32, #tpu.memory_space<vmem>> -> memref<1x1x128xi32, #tpu.memory_space<vmem>>
        %dma_start3A_356 = tpu.memref_squeeze %dma_start3A_355 : memref<1x1x128xi32, #tpu.memory_space<vmem>> -> memref<1x128xi32, #tpu.memory_space<vmem>>
        %dma_start3A_357 = arith.constant 0 : i32
        %dma_start3A_358 = tpu.memref_slice %dma_start3A_356[%run_scoped3A_351, %dma_start3A_357] : memref<1x128xi32, #tpu.memory_space<vmem>> -> memref<1x128xi32, #tpu.memory_space<vmem>>
        %dma_start3A_359 = tpu.memref_squeeze %dma_start3A_358 : memref<1x128xi32, #tpu.memory_space<vmem>> -> memref<128xi32, #tpu.memory_space<vmem>>
        %dma_start3A_360 = arith.constant 0 : i32
        %dma_start3A_361 = arith.constant 0 : i32
        %dma_start3A_362 = tpu.memref_slice %arg10[%dma_start3A_360, %dma_start3A_361] : memref<10000x128xf32, #tpu.memory_space<vmem_shared>> -> memref<10000x128xf32, #tpu.memory_space<vmem_shared>>
        tpu.enqueue_indirect_dma source(%arg5 : memref<128x128xf32, #tpu.memory_space<vmem>>) target(%dma_start3A_362 : memref<10000x128xf32, #tpu.memory_space<vmem_shared>>) offsets(%dma_start3A_359 : memref<128xi32, #tpu.memory_space<vmem>>) semaphore(%run_scoped3A_352 : memref<!tpu.dma_semaphore, #tpu.memory_space<semaphore_mem>>) {add = true}
        %dma_wait3A_363 = arith.constant 0 : i32
        %dma_wait3A_364 = arith.constant 0 : i32
        %dma_wait3A_365 = tpu.memref_slice %arg9[%run_scoped3A_350, %dma_wait3A_363, %dma_wait3A_364] : memref<6x1x128xi32, #tpu.memory_space<vmem>> -> memref<1x1x128xi32, #tpu.memory_space<vmem>>
        %dma_wait3A_366 = tpu.memref_squeeze %dma_wait3A_365 : memref<1x1x128xi32, #tpu.memory_space<vmem>> -> memref<1x128xi32, #tpu.memory_space<vmem>>
        %dma_wait3A_367 = arith.constant 0 : i32
        %dma_wait3A_368 = tpu.memref_slice %dma_wait3A_366[%run_scoped3A_351, %dma_wait3A_367] : memref<1x128xi32, #tpu.memory_space<vmem>> -> memref<1x128xi32, #tpu.memory_space<vmem>>
        %dma_wait3A_369 = tpu.memref_squeeze %dma_wait3A_368 : memref<1x128xi32, #tpu.memory_space<vmem>> -> memref<128xi32, #tpu.memory_space<vmem>>
        %dma_wait3A_370 = arith.constant 0 : i32
        %dma_wait3A_371 = arith.constant 0 : i32
        %dma_wait3A_372 = tpu.memref_slice %arg10[%dma_wait3A_370, %dma_wait3A_371] : memref<10000x128xf32, #tpu.memory_space<vmem_shared>> -> memref<10000x128xf32, #tpu.memory_space<vmem_shared>>
        tpu.wait_indirect_dma semaphore(%run_scoped3A_352 : memref<!tpu.dma_semaphore, #tpu.memory_space<semaphore_mem>>) src(%arg5 : memref<128x128xf32, #tpu.memory_space<vmem>>) dst(%dma_wait3A_372 : memref<10000x128xf32, #tpu.memory_space<vmem_shared>>)
        tpu.yield
      }) : () -> ()
    } else {
    }
    %barrier3A_327 = arith.constant 0 : index
    tpu.barrier barrier_id(%barrier3A_327)
    "tpu.region"() ({
      %run_scoped3A = tpu.sem_alloc : memref<!tpu.dma_semaphore, #tpu.memory_space<semaphore_mem>>
      %dma_start3A_333 = arith.constant 0 : i32
      %dma_start3A_334 = tpu.memref_slice %arg4[%arg0, %multiple_of3A_31, %dma_start3A_333] : memref<2x10000x128xf32, #tpu.memory_space<hbm>> -> memref<1x624x128xf32, #tpu.memory_space<hbm>>
      %dma_start3A_335 = tpu.memref_squeeze %dma_start3A_334 : memref<1x624x128xf32, #tpu.memory_space<hbm>> -> memref<624x128xf32, #tpu.memory_space<hbm>>
      %dma_start3A_336 = arith.constant 0 : i32
      %dma_start3A_337 = tpu.memref_slice %arg10[%multiple_of3A_31, %dma_start3A_336] : memref<10000x128xf32, #tpu.memory_space<vmem_shared>> -> memref<624x128xf32, #tpu.memory_space<vmem_shared>>
      tpu.enqueue_dma source(%dma_start3A_337 : memref<624x128xf32, #tpu.memory_space<vmem_shared>>) target(%dma_start3A_335 : memref<624x128xf32, #tpu.memory_space<hbm>>) target_semaphore(%run_scoped3A : memref<!tpu.dma_semaphore, #tpu.memory_space<semaphore_mem>>)
      %dma_wait3A_338 = arith.constant 0 : i32
      %dma_wait3A_339 = tpu.memref_slice %arg4[%arg0, %multiple_of3A_31, %dma_wait3A_338] : memref<2x10000x128xf32, #tpu.memory_space<hbm>> -> memref<1x624x128xf32, #tpu.memory_space<hbm>>
      %dma_wait3A_340 = tpu.memref_squeeze %dma_wait3A_339 : memref<1x624x128xf32, #tpu.memory_space<hbm>> -> memref<624x128xf32, #tpu.memory_space<hbm>>
      %dma_wait3A_341 = arith.constant 0 : i32
      %dma_wait3A_342 = tpu.memref_slice %arg10[%multiple_of3A_31, %dma_wait3A_341] : memref<10000x128xf32, #tpu.memory_space<vmem_shared>> -> memref<624x128xf32, #tpu.memory_space<vmem_shared>>
      tpu.wait_dma2 semaphore(%run_scoped3A : memref<!tpu.dma_semaphore, #tpu.memory_space<semaphore_mem>>) src(%dma_wait3A_342 : memref<624x128xf32, #tpu.memory_space<vmem_shared>>) dst(%dma_wait3A_340 : memref<624x128xf32, #tpu.memory_space<hbm>>)
      tpu.yield
    }) : () -> ()
    %eq3A_328 = arith.constant 15 : i32
    %eq3A_329 = arith.cmpi eq, %arg1, %eq3A_328 : i32
    %convert_element_type3A_330 = arith.extui %eq3A_329 : i1 to i32
    %cond3A_331 = arith.constant 0 : i32
    %cond3A_332 = arith.cmpi ne, %convert_element_type3A_330, %cond3A_331 : i32
    scf.if %cond3A_332 {
      "tpu.region"() ({
        %run_scoped3A = tpu.sem_alloc : memref<!tpu.dma_semaphore, #tpu.memory_space<semaphore_mem>>
        %dma_start3A_333 = arith.constant 9984 : i32
        %dma_start3A_334 = arith.constant 0 : i32
        %dma_start3A_335 = tpu.memref_slice %arg4[%arg0, %dma_start3A_333, %dma_start3A_334] : memref<2x10000x128xf32, #tpu.memory_space<hbm>> -> memref<1x16x128xf32, #tpu.memory_space<hbm>>
        %dma_start3A_336 = tpu.memref_squeeze %dma_start3A_335 : memref<1x16x128xf32, #tpu.memory_space<hbm>> -> memref<16x128xf32, #tpu.memory_space<hbm>>
        %dma_start3A_337 = arith.constant 9984 : i32
        %dma_start3A_338 = arith.constant 0 : i32
        %dma_start3A_339 = tpu.memref_slice %arg10[%dma_start3A_337, %dma_start3A_338] : memref<10000x128xf32, #tpu.memory_space<vmem_shared>> -> memref<16x128xf32, #tpu.memory_space<vmem_shared>>
        tpu.enqueue_dma source(%dma_start3A_339 : memref<16x128xf32, #tpu.memory_space<vmem_shared>>) target(%dma_start3A_336 : memref<16x128xf32, #tpu.memory_space<hbm>>) target_semaphore(%run_scoped3A : memref<!tpu.dma_semaphore, #tpu.memory_space<semaphore_mem>>)
        %dma_wait3A_340 = arith.constant 9984 : i32
        %dma_wait3A_341 = arith.constant 0 : i32
        %dma_wait3A_342 = tpu.memref_slice %arg4[%arg0, %dma_wait3A_340, %dma_wait3A_341] : memref<2x10000x128xf32, #tpu.memory_space<hbm>> -> memref<1x16x128xf32, #tpu.memory_space<hbm>>
        %dma_wait3A_343 = tpu.memref_squeeze %dma_wait3A_342 : memref<1x16x128xf32, #tpu.memory_space<hbm>> -> memref<16x128xf32, #tpu.memory_space<hbm>>
        %dma_wait3A_344 = arith.constant 9984 : i32
        %dma_wait3A_345 = arith.constant 0 : i32
        %dma_wait3A_346 = tpu.memref_slice %arg10[%dma_wait3A_344, %dma_wait3A_345] : memref<10000x128xf32, #tpu.memory_space<vmem_shared>> -> memref<16x128xf32, #tpu.memory_space<vmem_shared>>
        tpu.wait_dma2 semaphore(%run_scoped3A : memref<!tpu.dma_semaphore, #tpu.memory_space<semaphore_mem>>) src(%dma_wait3A_346 : memref<16x128xf32, #tpu.memory_space<vmem_shared>>) dst(%dma_wait3A_343 : memref<16x128xf32, #tpu.memory_space<hbm>>)
        tpu.yield
      }) : () -> ()
    } else {
    }
    return
  }
}

module attributes {stable_mosaic.version = 14 : i64} {
  func.func @_tc_mlp_body(%arg0: i32, %arg1: memref<2x2000x128xf32, #tpu.memory_space<vmem>>, %arg2: memref<2000x128xf32, #tpu.memory_space<vmem>>, %arg3: memref<128x128xf32, #tpu.memory_space<vmem>>, %arg4: memref<1x128xf32, #tpu.memory_space<vmem>>, %arg5: memref<128x128xf32, #tpu.memory_space<vmem>>, %arg6: memref<1x128xf32, #tpu.memory_space<vmem>>, %arg7: memref<2000x128xf32, #tpu.memory_space<vmem>>) attributes {dimension_semantics = [#tpu.dimension_semantics<arbitrary>], iteration_bounds = array<i64: 5>, scalar_prefetch = 0 : i64, scratch_operands = 0 : i64, tpu.core_type = #tpu.core_type<tc>, window_params = [{transform_indices = @transform_0, window_bounds = array<i64: 2, 2000, 128>}, {transform_indices = @transform_1, window_bounds = array<i64: 2000, 128>}, {pipeline_mode = #tpu.pipeline_mode<synchronous>, transform_indices = @transform_2, window_bounds = array<i64: 128, 128>}, {pipeline_mode = #tpu.pipeline_mode<synchronous>, transform_indices = @transform_3, window_bounds = array<i64: 1, 128>}, {pipeline_mode = #tpu.pipeline_mode<synchronous>, transform_indices = @transform_4, window_bounds = array<i64: 128, 128>}, {pipeline_mode = #tpu.pipeline_mode<synchronous>, transform_indices = @transform_5, window_bounds = array<i64: 1, 128>}, {transform_indices = @transform_6, window_bounds = array<i64: 2000, 128>}]} {
    %get3A = arith.constant 0 : index
    %get3A_0 = arith.constant 0 : index
    %get3A_1 = arith.constant 0 : index
    %get3A_2 = vector.load %arg1[%get3A, %get3A_0, %get3A_1] : memref<2x2000x128xf32, #tpu.memory_space<vmem>>, vector<1x2000x128xf32>
    %get3A_3 = vector.shape_cast %get3A_2 : vector<1x2000x128xf32> to vector<2000x128xf32>
    %get3A_4 = arith.constant 1 : index
    %get3A_5 = arith.constant 0 : index
    %get3A_6 = arith.constant 0 : index
    %get3A_7 = vector.load %arg1[%get3A_4, %get3A_5, %get3A_6] : memref<2x2000x128xf32, #tpu.memory_space<vmem>>, vector<1x2000x128xf32>
    %get3A_8 = vector.shape_cast %get3A_7 : vector<1x2000x128xf32> to vector<2000x128xf32>
    %add3A = arith.addf %get3A_3, %get3A_8 : vector<2000x128xf32>
    %get3A_9 = arith.constant 0 : index
    %get3A_10 = arith.constant 0 : index
    %get3A_11 = vector.load %arg3[%get3A_9, %get3A_10] : memref<128x128xf32, #tpu.memory_space<vmem>>, vector<128x128xf32>
    %dot_general3A = arith.constant dense<0.000000e+00> : vector<2000x128xf32>
    %dot_general3A_12 = tpu.matmul %add3A, %get3A_11, %dot_general3A {dimension_numbers = #tpu.dot_dimension_numbers<[1], [1], [0], [0], [0, 0, 1, 0], [], []>, transpose_lhs_hint = false} : vector<2000x128xf32>, vector<128x128xf32>, vector<2000x128xf32> -> vector<2000x128xf32>
    %get3A_13 = arith.constant 0 : index
    %get3A_14 = arith.constant 0 : index
    %get3A_15 = vector.load %arg4[%get3A_13, %get3A_14] : memref<1x128xf32, #tpu.memory_space<vmem>>, vector<1x128xf32>
    %get3A_16 = vector.shape_cast %get3A_15 : vector<1x128xf32> to vector<128xf32>
    %broadcast_in_dim3A = vector.shape_cast %get3A_16 : vector<128xf32> to vector<1x128xf32>
    %add3A_17 = vector.broadcast %broadcast_in_dim3A : vector<1x128xf32> to vector<2000x128xf32>
    %add3A_18 = arith.addf %dot_general3A_12, %add3A_17 : vector<2000x128xf32>
    %max3A = arith.constant 0.000000e+00 : f32
    %max3A_19 = vector.broadcast %max3A : f32 to vector<2000x128xf32>
    %max3A_20 = arith.maximumf %add3A_18, %max3A_19 : vector<2000x128xf32>
    %abs3A = math.absf %add3A_18 : vector<2000x128xf32>
    %neg3A = arith.constant 0.000000e+00 : f32
    %neg3A_21 = vector.broadcast %neg3A : f32 to vector<2000x128xf32>
    %neg3A_22 = arith.subf %neg3A_21, %abs3A : vector<2000x128xf32>
    %exp3A = math.exp %neg3A_22 : vector<2000x128xf32>
    %log1p3A = math.log1p %exp3A : vector<2000x128xf32>
    %add3A_23 = arith.addf %max3A_20, %log1p3A : vector<2000x128xf32>
    %sub3A = arith.constant 0.693147182 : f32
    %sub3A_24 = vector.broadcast %sub3A : f32 to vector<2000x128xf32>
    %sub3A_25 = arith.subf %add3A_23, %sub3A_24 : vector<2000x128xf32>
    %get3A_26 = arith.constant 0 : index
    %get3A_27 = arith.constant 0 : index
    %get3A_28 = vector.load %arg5[%get3A_26, %get3A_27] : memref<128x128xf32, #tpu.memory_space<vmem>>, vector<128x128xf32>
    %dot_general3A_29 = arith.constant dense<0.000000e+00> : vector<2000x128xf32>
    %dot_general3A_30 = tpu.matmul %sub3A_25, %get3A_28, %dot_general3A_29 {dimension_numbers = #tpu.dot_dimension_numbers<[1], [1], [0], [0], [0, 0, 1, 0], [], []>, transpose_lhs_hint = false} : vector<2000x128xf32>, vector<128x128xf32>, vector<2000x128xf32> -> vector<2000x128xf32>
    %get3A_31 = arith.constant 0 : index
    %get3A_32 = arith.constant 0 : index
    %get3A_33 = vector.load %arg6[%get3A_31, %get3A_32] : memref<1x128xf32, #tpu.memory_space<vmem>>, vector<1x128xf32>
    %get3A_34 = vector.shape_cast %get3A_33 : vector<1x128xf32> to vector<128xf32>
    %broadcast_in_dim3A_35 = vector.shape_cast %get3A_34 : vector<128xf32> to vector<1x128xf32>
    %add3A_36 = vector.broadcast %broadcast_in_dim3A_35 : vector<1x128xf32> to vector<2000x128xf32>
    %add3A_37 = arith.addf %dot_general3A_30, %add3A_36 : vector<2000x128xf32>
    %get3A_38 = arith.constant 0 : index
    %get3A_39 = arith.constant 0 : index
    %get3A_40 = vector.load %arg2[%get3A_38, %get3A_39] : memref<2000x128xf32, #tpu.memory_space<vmem>>, vector<2000x128xf32>
    %add3A_41 = arith.addf %add3A_37, %get3A_40 : vector<2000x128xf32>
    %swap3A = arith.constant 0 : index
    %swap3A_42 = arith.constant 0 : index
    %swap3A_43 = vector.load %arg7[%swap3A, %swap3A_42] : memref<2000x128xf32, #tpu.memory_space<vmem>>, vector<2000x128xf32>
    tpu.vector_store %arg7[%swap3A, %swap3A_42], %add3A_41 {strides = array<i32>} : memref<2000x128xf32, #tpu.memory_space<vmem>>, vector<2000x128xf32>,
    return
  }
  func.func @transform_0(%arg0: i32) -> (i32, i32, i32) {
    %c0_i32 = arith.constant 0 : i32
    %c0_i32_0 = arith.constant 0 : i32
    %c0_i32_1 = arith.constant 0 : i32
    return %c0_i32, %arg0, %c0_i32_0 : i32, i32, i32
  }
  func.func @transform_1(%arg0: i32) -> (i32, i32) {
    %c0_i32 = arith.constant 0 : i32
    %c0_i32_0 = arith.constant 0 : i32
    return %arg0, %c0_i32 : i32, i32
  }
  func.func @transform_2(%arg0: i32) -> (i32, i32) {
    %c0_i32 = arith.constant 0 : i32
    %c0_i32_0 = arith.constant 0 : i32
    %c0_i32_1 = arith.constant 0 : i32
    return %c0_i32, %c0_i32_0 : i32, i32
  }
  func.func @transform_3(%arg0: i32) -> (i32, i32) {
    %c0_i32 = arith.constant 0 : i32
    %c0_i32_0 = arith.constant 0 : i32
    %c0_i32_1 = arith.constant 0 : i32
    return %c0_i32, %c0_i32_0 : i32, i32
  }
  func.func @transform_4(%arg0: i32) -> (i32, i32) {
    %c0_i32 = arith.constant 0 : i32
    %c0_i32_0 = arith.constant 0 : i32
    %c0_i32_1 = arith.constant 0 : i32
    return %c0_i32, %c0_i32_0 : i32, i32
  }
  func.func @transform_5(%arg0: i32) -> (i32, i32) {
    %c0_i32 = arith.constant 0 : i32
    %c0_i32_0 = arith.constant 0 : i32
    %c0_i32_1 = arith.constant 0 : i32
    return %c0_i32, %c0_i32_0 : i32, i32
  }
  func.func @transform_6(%arg0: i32) -> (i32, i32) {
    %c0_i32 = arith.constant 0 : i32
    %c0_i32_0 = arith.constant 0 : i32
    return %arg0, %c0_i32 : i32, i32
  }
}

</mosaic_0001>

<sc_bundles>
// kernel: kernel.4.cloned.1.call-start
scs
__scs_entry_jumppad:
0x0: {  	(pc) =	sbr.rel $0x88, $3  }
0x1: {  	(tag) =	ssettag $0x0;
	lr =	simm.s32 $0x1  }
0x2: {  	[smem:$0x3F9A] =	sst lr;
	_ =	strace $0xD0000000  }
0x3: {  	_ = 	snop  }
0x4: {  	_ = 	snop  }
0x5: {  	_ = 	snop  }
0x6: {  	_ = 	snop  }
0x7: {  	_ = 	snop  }
__scs_overlays_trampoline_lowered:
0x8: {  	[smem:$0x3FA9] =	sst s0  }
0x9: {  	[smem:$0x3FAA] =	sst s1  }
0xa: {  	[smem:$0x3FAB] =	sst s2  }
0xb: {  	[smem:$0x3FAC] =	sst s3  }
0xc: {  	[smem:$0x3FAD] =	sst s4  }
0xd: {  	[smem:$0x3FAE] =	sst s5  }
0xe: {  	[smem:$0x3FAF] =	sst s6  }
0xf: {  	[smem:$0x3FB0] =	sst s7  }
0x10: {  	[smem:$0x3FB1] =	sst s8  }
0x11: {  	[smem:$0x3FB2] =	sst s9;
	s0 =	simm.s32 @!p0 $0x0  }
0x12: {  	s1 =	sld [smem:$0x3F98];
	s0 =	simm.s32 @p0 $0x1  }
0x13: {  	[smem:$0x3FB3] =	sst s0;
	s0 =	simm.s32 @!p1 $0x0  }
0x14: {  	s2 =	sld [smem:$0x3F97];
	s0 =	simm.s32 @p1 $0x1  }
0x15: {  	[smem:$0x3FB4] =	sst s0;
	s0 =	simm.s32 @!p2 $0x0  }
0x16: {  	s3 =	sld [smem:$0x3FDB];
	s0 =	simm.s32 @p2 $0x1  }
0x17: {  	s4 =	simm.s32 $0x1BF5;
	[smem:$0x3FB6] =	sst s0  }
0x18: {  	s0 =	sld [smem:$0x3F99];
	_ =	swait.ge [sflag:s4], $0x0  }
0x19: {  	s7 =	sld [smem:$0x3F9A]  }
0x1a: {  	s8 =	sadd.s32 $0xFFFFE003, lr  }
0x1b: {  	s9 =	sadd.s32 $0xFFFFFEF7, lr;
	s5 =	simm.s32 $0xFFFFFFFF;
	p2 =	slt.u32 s8, $0xFFFFF086  }
0x1c: {  	p1 =	slt.u32 s9, $0xF7A;
	s5 =	simm.s32 @!p2 $0x0  }
0x1d: {  	s5 =	simm.s32 @p1 $0x1;
	p0 =	seq.s32 s7, s2  }
0x1e: {  	s7 =	smul.u32 @!p0 $0xF7A, s2;
	p2 =	seq.s32 @!p0 s5, $0x0  }
0x1f: {  	s9 =	smul.u32 $0xF7A, s1;
	s8 =	simm.s32 @!p0 $0x1BF5;
	p2 =	por !p2, p0  }
0x20: {  	[sflag:s8] =	ssyncset.s32 @!p0 $0xFFFFF086;
	s6 =	sadd.s32 @!p0 s3, s7;
	s7 =	simm.s32 @!p0 $0x108  }
0x21: {  	s3 =	sadd.s32 s3, s9;
	s6 =	sadd.s32 @!p0 $0x88, s6;
	s7 =	simm.s32 @p2 $0x1082  }
0x22: {  	[simem:s7], [sflag:s8] =	dma.local @!p0 [hbm:s6], $0xF7A  }
0x23: {  	s9 =	sor.u32 $0xD0000000, s2;
	s6 =	simm.s32 $0x108;
	_ =	swait.ge @!p0 [sflag:s8], $0x0  }
0x24: {  	s3 =	sadd.s32 $0x88, s3;
	s6 =	simm.s32 @!p1 $0x1082;
	[sflag:s4] =	ssyncset.s32 $0xFFFFF086  }
0x25: {  	[simem:s6], [sflag:s4] =	dma.local [hbm:s3], $0xF7A  }
0x26: {  	[smem:$0x3F9A] =	sst s1;
	(tag) =	ssettag s2;
	_ =	strace s9  }
0x27: {  	s1 =	sld [smem:$0x3FAA]  }
0x28: {  	s2 =	sld [smem:$0x3FAB]  }
0x29: {  	s4 =	sld [smem:$0x3FAD]  }
0x2a: {  	p0 =	seq.s32 s5, $0x0;
	s5 =	sld [smem:$0x3FAE]  }
0x2b: {  	s6 =	sld [smem:$0x3FAF]  }
0x2c: {  	s7 =	sld [smem:$0x3FB0]  }
0x2d: {  	s3 =	simm.s32 $0x108;
	s8 =	sld [smem:$0x3FB1]  }
0x2e: {  	s3 =	simm.s32 @!p0 $0x1082;
	s9 =	sld [smem:$0x3FB2]  }
0x2f: {  	lr =	sadd.s32 s0, s3;
	s0 =	sld [smem:$0x3FA9]  }
0x30: {  	s3 =	sld [smem:$0x3FAC]  }
0x31: {  	[smem:$0x3FB5] =	sst s10  }
0x32: {  	s10 =	sld [smem:$0x3FB3];
	_ =	sdelay $0x3  }
0x33: {  	p0 =	seq.s32 s10, $0x1;
	s10 =	sld [smem:$0x3FB5];
	_ =	sdelay $0x3  }
0x34: {  	[smem:$0x3FB5] =	sst s10  }
0x35: {  	s10 =	sld [smem:$0x3FB4];
	_ =	sdelay $0x3  }
0x36: {  	p1 =	seq.s32 s10, $0x1;
	s10 =	sld [smem:$0x3FB5];
	_ =	sdelay $0x3  }
0x37: {  	[smem:$0x3FB5] =	sst s10  }
0x38: {  	s10 =	sld [smem:$0x3FB6]  }
0x39: {  	_ = 	snop;
	(pc) =	sbr.ind lr, $3  }
0x3a: {  	_ = 	snop  }
0x3b: {  	_ = 	snop  }
0x3c: {  	p2 =	seq.s32 s10, $0x1;
	s10 =	sld [smem:$0x3FB5]  }
0x3d: {  	_ =	shalt  }
0x3e: {  	_ =	shalt  }
0x3f: {  	_ =	shalt  }
0x40: {  	_ =	shalt  }
0x41: {  	_ =	shalt  }
0x42: {  	_ =	shalt  }
0x43: {  	_ =	shalt  }
0x44: {  	_ =	shalt  }
0x45: {  	_ =	shalt  }
0x46: {  	_ =	shalt  }
0x47: {  	_ =	shalt  }
0x48: {  	_ =	shalt  }
0x49: {  	_ =	shalt  }
0x4a: {  	_ =	shalt  }
0x4b: {  	_ =	shalt  }
0x4c: {  	_ =	shalt  }
0x4d: {  	_ =	shalt  }
0x4e: {  	_ =	shalt  }
0x4f: {  	_ =	shalt  }
0x50: {  	_ =	shalt  }
0x51: {  	_ =	shalt  }
0x52: {  	_ =	shalt  }
0x53: {  	_ =	shalt  }
0x54: {  	_ =	shalt  }
0x55: {  	_ =	shalt  }
0x56: {  	_ =	shalt  }
0x57: {  	_ =	shalt  }
0x58: {  	_ =	shalt  }
0x59: {  	_ =	shalt  }
0x5a: {  	_ =	shalt  }
0x5b: {  	_ =	shalt  }
0x5c: {  	_ =	shalt  }
0x5d: {  	_ =	shalt  }
0x5e: {  	_ =	shalt  }
0x5f: {  	_ =	shalt  }
0x60: {  	_ =	shalt  }
0x61: {  	_ =	shalt  }
0x62: {  	_ =	shalt  }
0x63: {  	_ =	shalt  }
0x64: {  	_ =	shalt  }
0x65: {  	_ =	shalt  }
0x66: {  	_ =	shalt  }
0x67: {  	_ =	shalt  }
0x68: {  	_ =	shalt  }
0x69: {  	_ =	shalt  }
0x6a: {  	_ =	shalt  }
0x6b: {  	_ =	shalt  }
0x6c: {  	_ =	shalt  }
0x6d: {  	_ =	shalt  }
0x6e: {  	_ =	shalt  }
0x6f: {  	_ =	shalt  }
0x70: {  	_ =	shalt  }
0x71: {  	_ =	shalt  }
0x72: {  	_ =	shalt  }
0x73: {  	_ =	shalt  }
0x74: {  	_ =	shalt  }
0x75: {  	_ =	shalt  }
0x76: {  	_ =	shalt  }
0x77: {  	_ =	shalt  }
0x78: {  	_ =	shalt  }
0x79: {  	_ =	shalt  }
0x7a: {  	_ =	shalt  }
0x7b: {  	_ =	shalt  }
0x7c: {  	_ =	shalt  }
0x7d: {  	_ =	shalt  }
0x7e: {  	_ =	shalt  }
0x7f: {  	_ =	shalt  }
0x80: {  	_ =	shalt  }
0x81: {  	_ =	shalt  }
0x82: {  	_ =	shalt  }
0x83: {  	_ =	shalt  }
0x84: {  	_ =	shalt  }
0x85: {  	_ =	shalt  }
0x86: {  	_ =	shalt  }
0x87: {  	_ =	shalt  }
.Lfunc_end0:
.L_simem_size_0:
called_computation_lowered:
.L_overlay_start_0:
0x88: {  	s2 =	sld [smem:$0x3FD9]  }
0x89: {  	s3 =	sld [smem:$0x3FFE];
	_ =	sdelay $0x1  }
0x8a: {  	s1 =	srdreg.scid  }
0x8b: {  	s0 =	sand.u32 $0x1, s1  }
0x8c: {  	s17 =	sshll.u32 s0, $0xA;
	s2 =	sadd.s32 s3, s2  }
0x8d: {  	s2 =	sadd.s32 s2, s17  }
0x8e: {  	[smem:$0x3FC1] =	sst s2  }
0x8f: {  	_ = 	snop  }
0x90: {  	s2 =	sld [smem:$0x3FC8]  }
0x91: {  	s18 =	sld [smem:$0x3FD0];
	(tm) =	ssettm $0x1  }
0x92: {  	s4 =	sld [smem:$0x3FFB];
	_ =	sdelay $0x3  }
0x93: {  	_ =	strace s4  }
0x94: {  	s4 =	sld [smem:$0x3FFC];
	_ =	sdelay $0x3  }
0x95: {  	_ =	strace s4  }
0x96: {  	s4 =	sld [smem:$0x3FFD];
	_ =	sdelay $0x3  }
0x97: {  	_ =	strace s4  }
0x98: {  	_ =	strace $0x8FFFFFFF  }
0x99: {  	s19 =	sld [smem:$0x3FDB];
	_ =	sdelay $0x1  }
0x9a: {  	s5 =	simm.s32 $_scs_section_size  }
0x9b: {  	s6 =	simm.s32 $_size__tile_overlayer_lowered;
	s7 =	simm.s32 $_tile_overlayer_lowered  }
0x9c: {  	s22 =	simm.s32 $0x1BFF;
	s21 =	sshll.u32 s7, $0x1;
	s4 =	sadd.s32 s5, s19  }
0x9d: {  	s8 =	simm.s32 $0x0;
	s20 =	sshll.u32 s6, $0x1;
	s6 =	sadd.s32 s21, s4  }
0x9e: {  	[timem:s8], [sflag:s22] =	dma.local [hbm:s6], s20  }
0x9f: {  	_ =	swait.ge [sflag:s22], s20  }
0xa0: {  	s5 =	ssub.s32 $0x0, s20;
	[sflag:s22] =	ssyncset.done $0x0  }
0xa1: {  	[sflag:s22] =	ssyncadd.s32 s5;
	_ =	sdelay $0x1  }
0xa2: {  	s23 =	simm.s32 $0x1B8B  }
0xa3: {  	_ =	swait.ge [sflag:s23], $0x1  }
0xa4: {  	[sflag:s23] =	ssyncset.done $0x0  }
0xa5: {  	s25 =	simm.s32 $0x1B8E;
	s24 =	sld [smem:$0x3FFE];
	[sflag:s23] =	ssyncadd.s32 $0xFFFFFFFF  }
0xa6: {  	s26 =	simm.s32 $execute0_lowered;
	[smem:$0x3FD2] =	sst s25  }
0xa7: {  	s6 =	sshll.u32 s26, $0x1;
	_ =	strace $0x80000046;
	[dreg:$0x1] =	wrdreg $0xFFFFFFFF  }
0xa8: {  	s28 =	simm.s32 $_size_execute0_lowered;
	s4 =	sadd.s32 s4, s6;
	[dreg:$0x0] =	wrdreg $0x0  }
0xa9: {  	s6 =	sshll.u32 s28, $0x1;
	[dreg:$0x2] =	wrdreg s4  }
0xaa: {  	[dreg:$0x3] =	wrdreg s6  }
0xab: {  	[dreg:$0x4] =	wrdreg $0xC0  }
0xac: {  	_ =	task [dreg:s8], $0x5FFFF  }
0xad: {  	[dreg:$0x1] =	wrdreg $0xFFFFFFFF  }
0xae: {  	[dreg:$0x0] =	wrdreg $0x60  }
0xaf: {  	[dreg:$0x2] =	wrdreg s2  }
0xb0: {  	[dreg:$0x3] =	wrdreg s18  }
0xb1: {  	[dreg:$0x4] =	wrdreg s24  }
0xb2: {  	[dreg:$0x5] =	wrdreg $0xC6000  }
0xb3: {  	[dreg:$0x6] =	wrdreg $0x9  }
0xb4: {  	_ =	task.clear_ibuf [dreg:s8], $0x7FFFF;
	_ =	strace $0x90000046  }
0xb5: {  	s29 =	simm.s32 $0x9;
	_ =	strace $0x80000048  }
0xb6: {  	_ =	swait.ge [sflag:s29], $0x1  }
0xb7: {  	[sflag:s29] =	ssyncadd.s32 $0xFFFFFFFF  }
0xb8: {  	_ =	strace $0x90000048  }
0xb9: {  	_ =	sfence  }
0xba: {  	s30 =	sld [smem:$0x0];
	_ =	sdelay $0x2  }
0xbb: {  	s31 =	sshll.u32 s1, $0xD;
	s1 =	sshrl.u32 s1, $0x2  }
0xbc: {  	s3 =	sand.u32 $0x4000, s31;
	s1 =	sadd.s32 s1, s30  }
0xbd: {  	s0 =	sor.u32 s3, s0;
	s1 =	sshll.u32 s1, $0x11  }
0xbe: {  	s0 =	sor.u32 s1, s0  }
0xbf: {  	s0 =	sadd.s32 $0x8F2B, s0  }
0xc0: {  	[sflag:s0] =	ssyncadd.remote.s32 $0x1  }
0xc1: {  	_ =	sfence.sel $0xFFFF  }
0xc2: {  	[dreg:$0x0] =	wrdreg $0xFFFFFFFF;
	(pc) =	sbr.abs _section_cstart, $3  }
0xc3: {  	[dreg:$0x1] =	wrdreg $0xFFFFFFFF  }
0xc4: {  	_ =	task.clear_ibuf [dreg:s8], $0x2FFFF;
	_ =	strace $0x9FFFFFFF  }
0xc5: {  	(tm) =	ssettm $0x7FFFFFFF  }
tec
execute0_lowered:
.L_overlay_start_1:
0x0: {  	(tag) =	ssettag $0x1  }
0x1: {  	s0 =	rddreg [dreg:$0x0]  }
0x2: {  	s1 =	rddreg [dreg:$0x1]  }
0x3: {  	s2 =	rddreg [dreg:$0x2]  }
0x4: {  	s4 =	srdreg.scid;
	s3 =	rddreg [dreg:$0x3]  }
0x5: {  	s16 =	stileid.u32;
	s28 =	simm.s32 $0x6;
	s29 =	simm.s32 $0x4  }
0x6: {  	s30 =	simm.s32 $0x4000;
	s31 =	simm.s32 $0x1;
	s7 =	smul.u32 $0x4E, s16  }
0x7: {  	s6 =	sand.u32 $0x1, s4;
	s4 =	simm.s32 $0x0;
	s8 =	smul.u32 $0x4E000, s16  }
0x8: {  	s9 =	smin.u32 s16, $0x2;
	s2 =	sadd.s32 $0x1000, s2;
	s5 =	smul.u32 $0x4E2, s6  }
0x9: {  	s13 =	sadd.s32 $0x138000, s3;
	s17 =	smul.u32 $0x13800, s16;
	s20 =	sshrl.u32 s8, $0x2  }
0xa: {  	[smem:$0x7FF] =	sst s4;
	s5 =	sadd.s32 s7, s5;
	s7 =	sadd.s32 s20, s3  }
0xb: {  	p0 =	sne.s32 s16, $0xF;
	_ =	strace $0x80000047;
	s12 =	sadd.s32 $0x4000, s7  }
0xc: {  	s5 =	sadd.s32 s9, s5;
	s23 =	sadd.s32 $0x8000, s7;
	[dreg:$0x17] =	wrdreg s12  }
0xd: {  	s24 =	sadd.s32 $0xC000, s7;
	s25 =	sadd.s32 $0x10000, s7;
	[dreg:$0x18] =	wrdreg s23  }
0xe: {  	s11 =	sshll.u32 s5, $0x4;
	s22 =	sshll.u32 s5, $0xB;
	[dreg:$0x19] =	wrdreg s24  }
0xf: {  	[dreg:$0x1a] =	wrdreg s25;
	s11 =	sadd.s32 s1, s11;
	s8 =	sadd.s32 s0, s22  }
0x10: {  	p1 =	sgt.u32 s16, $0x1;
	s21 =	sadd.s32 $0x9C40, s11;
	[dreg:$0x16] =	wrdreg s8  }
0x11: {  	s19 =	ssub.s32 $0x2, s6;
	s14 =	sadd.s32 $0x24800, s8;
	[dreg:$0x15] =	wrdreg s21  }
0x12: {  	s26 =	smul.u32 $0x138800, s6;
	s15 =	sadd.s32 $0x25000, s8;
	[dreg:$0x1b] =	wrdreg s14  }
0x13: {  	s10 =	sshrl.u32 s19, $0x1;
	s18 =	sadd.s32 $0x25800, s8;
	[dreg:$0x1c] =	wrdreg s15  }
0x14: {  	s10 =	ssub.s32 s19, s10;
	s19 =	sadd.s32 $0x3800, s8;
	[dreg:$0x1d] =	wrdreg s18  }
0x15: {  	s6 =	smul.u32 $0x4E20, s6;
	s20 =	sadd.s32 $0x4000, s8;
	[dreg:$0x5] =	wrdreg s19  }
0x16: {  	s9 =	sshll.u32 s9, $0x4;
	s22 =	sadd.s32 $0x5000, s8;
	[dreg:$0x6] =	wrdreg s20  }
0x17: {  	s12 =	sshrl.u32 s26, $0x3;
	s23 =	sadd.s32 $0x5800, s8;
	[dreg:$0x8] =	wrdreg s22  }
0x18: {  	s25 =	smul.u32 $0x4E0, s16;
	s24 =	sadd.s32 $0x6000, s8;
	[dreg:$0x9] =	wrdreg s23  }
0x19: {  	s1 =	sadd.s32 s6, s1;
	s11 =	sadd.s32 $0xA120, s11;
	[dreg:$0xa] =	wrdreg s24  }
0x1a: {  	s1 =	sadd.s32 s25, s1;
	s25 =	simm.s32 $0xC500;
	[smem:$0x7FA] =	sst s11  }
0x1b: {  	s16 =	simm.s32 $0xC280;
	s21 =	sadd.s32 $0x4800, s8;
	[dreg:$0x13] =	wrdreg s25  }
0x1c: {  	s14 =	sadd.s32 s17, s26;
	s26 =	sadd.s32 $0x26000, s8;
	[dreg:$0x7] =	wrdreg s21  }
0x1d: {  	s6 =	simm.s32 $0xC080;
	s17 =	sadd.s32 $0x26800, s8;
	[dreg:$0x1f] =	wrdreg s26  }
0x1e: {  	s15 =	sadd.s32 $0x2000, s8;
	s18 =	sadd.s32 $0x3000, s8;
	[smem:$0x7F9] =	sst s17  }
0x1f: {  	s19 =	sadd.s32 $0x1800, s8;
	s20 =	sadd.s32 $0x800, s8;
	[dreg:$0xc] =	wrdreg s15  }
0x20: {  	s1 =	sadd.s32 s9, s1;
	s22 =	simm.s32 $0xC400;
	[dreg:$0xd] =	wrdreg s18  }
0x21: {  	s23 =	simm.s32 $0xC480;
	s24 =	smax.u32 s10, $0x1;
	[dreg:$0xe] =	wrdreg s19  }
0x22: {  	s25 =	simm.s32 $0xC000;
	s9 =	simm.s32 $0x5;
	[dreg:$0xf] =	wrdreg s20  }
0x23: {  	s10 =	simm.s32 $0xC300;
	s11 =	simm.s32 $0x3;
	[dreg:$0x11] =	wrdreg s22  }
0x24: {  	s14 =	sshrl.u32 s14, $0x3;
	s21 =	simm.s32 $0xC380;
	[smem:$0x7FD] =	sst s24  }
0x25: {  	[dreg:$0x12] =	wrdreg s23;
	s24 =	sadd.s32 $0x9D00, s1;
	s26 =	simm.s32 $0xC580  }
0x26: {  	s1 =	simm.s32 $0x80;
	s15 =	simm.s32 $0xC200;
	[dreg:$0x10] =	wrdreg s21  }
0x27: {  	s18 =	simm.s32 $0x0;
	s14 =	sadd.s32 s2, s14;
	[dreg:$0x14] =	wrdreg s26  }
0x28: {  	s2 =	sadd.s32 s2, s12;
	[dreg:$0x1e] =	wrdreg s14;
	s14 =	sadd.s32 $0x2800, s8  }
0x29: {  	s26 =	simm.s32 $0x8000;
	s8 =	sadd.s32 $0x27000, s8;
	[dreg:$0xb] =	wrdreg s14  }
0x2a: {  	s12 =	simm.s32 $0xC100;
	s2 =	sadd.s32 $0x27000, s2;
	[smem:$0x7FB] =	sst s8  }
0x2b: {  	v0 =	vimm.f32 $0.0e+00;
	[smem:$0x7FC] =	sst s2;
	s2 =	simm.s32 $0x2;
	s14 =	simm.s32 $0xC180  }
.LBB2_1:
0x2c: {  	s8 =	rddreg [dreg:$0x15]  }
0x2d: {  	[tilespmem:s25], [sflag:$0x4] =	stream.linear.gather [hbm4b:s8+s4], $0x300, $0x38;
	[tilespmem:$0x1FE80] =	vst v63  }
0x2e: {  	s23 =	rddreg [dreg:$0x16];
	s19 =	simm.s32 $0x0;
	s20 =	simm.s32 $0x200  }
0x2f: {  	[tilespmem:s4], [sflag:$0x1] =	stream.linear.gather [hbm4b:s23+s4], $0x4000, $0x38;
	[tilespmem:$0x1FE80] =	vst v63  }
.LBB2_2:
0x30: {  	p2 =	sne.s32 s20, $0xFE00;
	[tilespmem:s19+$0x8070] =	vst v0  }
0x31: {  	[tilespmem:s19+$0x8000] =	vst v0  }
0x32: {  	[tilespmem:s19+$0x8010] =	vst v0  }
.Ltmp0:
0x33: {  	[tilespmem:s19+$0x8020] =	vst v0;
	(pc) =	sbr.rel @p2 .LBB2_2-.Ltmp0, $4  }
0x34: {  	[tilespmem:s19+$0x8030] =	vst v0  }
0x35: {  	[tilespmem:s19+$0x8040] =	vst v0  }
0x36: {  	[tilespmem:s19+$0x8050] =	vst v0  }
0x37: {  	[tilespmem:s19+$0x8060] =	vst v0;
	s19 =	sshra.s32 s20, $0x2;
	s20 =	sadd.s32 $0x200, s20  }
0x38: {  	[tilespmem:s19+$0x8070] =	vst v0  }
0x39: {  	[tilespmem:s19+$0x8000] =	vst v0  }
0x3a: {  	[tilespmem:s19+$0x8010] =	vst v0  }
0x3b: {  	[tilespmem:s19+$0x8020] =	vst v0  }
0x3c: {  	[tilespmem:s19+$0x8030] =	vst v0  }
0x3d: {  	[tilespmem:s19+$0x8040] =	vst v0  }
0x3e: {  	[tilespmem:s19+$0x8050] =	vst v0  }
0x3f: {  	[tilespmem:s19+$0x8060] =	vst v0  }
0x40: {  	[spmem:s7] =	stream.linear.scatter [tilespmem:s26], [sflag:$0x6], $0x4000, $0x38;
	[tilespmem:$0x1FE80] =	vst v63  }
0x41: {  	s8 =	rddreg [dreg:$0x17]  }
0x42: {  	[spmem:s8] =	stream.linear.scatter [tilespmem:s26], [sflag:$0x6], $0x4000, $0x38;
	[tilespmem:$0x1FE80] =	vst v63  }
0x43: {  	s23 =	rddreg [dreg:$0x18]  }
0x44: {  	[spmem:s23] =	stream.linear.scatter [tilespmem:s26], [sflag:$0x6], $0x4000, $0x38;
	[tilespmem:$0x1FE80] =	vst v63  }
0x45: {  	s17 =	rddreg [dreg:$0x19]  }
0x46: {  	[spmem:s17] =	stream.linear.scatter [tilespmem:s26], [sflag:$0x6], $0x4000, $0x38;
	[tilespmem:$0x1FE80] =	vst v63  }
0x47: {  	s19 =	rddreg [dreg:$0x1a]  }
0x48: {  	[spmem:s19] =	stream.linear.scatter [tilespmem:s26], [sflag:$0x6], $0x3800, $0x38;
	[tilespmem:$0x1FE80] =	vst v63  }
0x49: {  	s19 =	simm.s32 @!p0 $0x8000  }
0x4a: {  	[spmem:s13] =	stream.linear.scatter @!p0 [tilespmem:s19], [sflag:$0x7], $0x800, $0x38;
	[tilespmem:$0x1FE80] =	vst v63  }
0x4b: {  	s19 =	simm.s32 @!p0 $0x7  }
0x4c: {  	_ =	swait.ge @!p0 [sflag:s19], $0x800  }
0x4d: {  	[sflag:s19] =	ssyncset.done @!p0 $0x0  }
0x4e: {  	[sflag:s19] =	ssyncadd.s32 @!p0 $0xFFFFF800  }
0x4f: {  	_ =	swait.ge [sflag:s28], $0x4000  }
0x50: {  	[sflag:s28] =	ssyncset.done $0x0  }
0x51: {  	[sflag:s28] =	ssyncadd.s32 $0xFFFFC000  }
0x52: {  	_ =	swait.ge [sflag:s28], $0x4000  }
0x53: {  	[sflag:s28] =	ssyncset.done $0x0  }
0x54: {  	[sflag:s28] =	ssyncadd.s32 $0xFFFFC000  }
0x55: {  	_ =	swait.ge [sflag:s28], $0x4000  }
0x56: {  	[sflag:s28] =	ssyncset.done $0x0  }
0x57: {  	[sflag:s28] =	ssyncadd.s32 $0xFFFFC000  }
0x58: {  	_ =	swait.ge [sflag:s28], $0x4000  }
0x59: {  	[sflag:s28] =	ssyncset.done $0x0  }
0x5a: {  	[sflag:s28] =	ssyncadd.s32 $0xFFFFC000  }
0x5b: {  	_ =	swait.ge [sflag:s28], $0x3800  }
0x5c: {  	[sflag:s28] =	ssyncset.done $0x0  }
0x5d: {  	[sflag:s28] =	ssyncadd.s32 $0xFFFFC800  }
0x5e: {  	[bflag:$0x0] =	sbarrier.arrive $0xFFFF  }
0x5f: {  	_ =	swait.ge [sflag:s29], $0x300  }
0x60: {  	p2 =	por $0x1, $0x1;
	[sflag:s29] =	ssyncset.done $0x0  }
0x61: {  	s19 =	simm.s32 @!p2 $0x5;
	[sflag:s29] =	ssyncadd.s32 $0xFFFFFD00  }
0x62: {  	_ =	swait.ge @!p2 [sflag:s19], $0x4000  }
0x63: {  	s20 =	rddreg [dreg:$0xf];
	[sflag:s19] =	ssyncset.done @!p2 $0x0  }
0x64: {  	[sflag:s19] =	ssyncadd.s32 @!p2 $0xFFFFC000;
	s20 =	sadd.s32 $0x0, s20  }
0x65: {  	[tilespmem:s30], [sflag:$0x2] =	stream.linear.gather [hbm4b:s20+s4], $0x4000, $0x38;
	[tilespmem:$0x1FE80] =	vst v63  }
0x66: {  	s20 =	simm.s32 $0x2;
	_ =	swait.ge [sflag:s31], $0x4000  }
0x67: {  	s20 =	simm.s32 @p2 $0x2;
	[sflag:s31] =	ssyncset.done $0x0  }
0x68: {  	s20 =	sadd.s32 s5, s20;
	[sflag:s31] =	ssyncadd.s32 $0xFFFFC000  }
0x69: {  	[spmem:s3] =	stream.indirect.scatter.add.f32 [tilespmem:s4], [sflag:$0x5], $0x80, s25, s1, $0xb8;
	[tilespmem:$0x1FE80] =	vst v63  }
0x6a: {  	s20 =	sshll.u32 s20, $0xB;
	_ =	swait.ge @!p2 [sflag:s19], $0x4000  }
0x6b: {  	s20 =	sand.u32 $0x1FFFF800, s20;
	[sflag:s19] =	ssyncset.done @!p2 $0x0  }
0x6c: {  	s20 =	sadd.s32 s0, s20;
	[sflag:s19] =	ssyncadd.s32 @!p2 $0xFFFFC000  }
0x6d: {  	[tilespmem:s26], [sflag:$0x3] =	stream.linear.gather [hbm4b:s20+s4], $0x4000, $0x38;
	[tilespmem:$0x1FE80] =	vst v63  }
0x6e: {  	_ =	swait.ge [sflag:s2], $0x4000  }
0x6f: {  	[sflag:s2] =	ssyncset.done $0x0  }
0x70: {  	[sflag:s2] =	ssyncadd.s32 $0xFFFFC000  }
0x71: {  	[spmem:s3] =	stream.indirect.scatter.add.f32 [tilespmem:s30], [sflag:$0x5], $0x80, s6, s1, $0xb8;
	[tilespmem:$0x1FE80] =	vst v63  }
0x72: {  	_ =	swait.ge [sflag:s9], $0x4000  }
0x73: {  	s21 =	rddreg [dreg:$0xe];
	[sflag:s9] =	ssyncset.done $0x0  }
0x74: {  	[sflag:s9] =	ssyncadd.s32 $0xFFFFC000;
	s19 =	sadd.s32 $0x0, s21  }
0x75: {  	[tilespmem:s4], [sflag:$0x1] =	stream.linear.gather [hbm4b:s19+s4], $0x4000, $0x38;
	[tilespmem:$0x1FE80] =	vst v63  }
0x76: {  	s22 =	sadd.s32 $0xFFFFFFA0, s24  }
0x77: {  	[tilespmem:s10], [sflag:$0x4] =	stream.linear.gather [hbm4b:s22+s4], $0x300, $0x38;
	[tilespmem:$0x1FE80] =	vst v63  }
0x78: {  	_ =	swait.ge [sflag:s11], $0x4000  }
0x79: {  	[sflag:s11] =	ssyncset.done $0x0  }
0x7a: {  	[sflag:s11] =	ssyncadd.s32 $0xFFFFC000  }
0x7b: {  	[spmem:s3] =	stream.indirect.scatter.add.f32 [tilespmem:s26], [sflag:$0x5], $0x80, s12, s1, $0xb8;
	[tilespmem:$0x1FE80] =	vst v63  }
0x7c: {  	_ =	swait.ge [sflag:s9], $0x4000  }
0x7d: {  	s23 =	rddreg [dreg:$0xc];
	[sflag:s9] =	ssyncset.done $0x0  }
0x7e: {  	[sflag:s9] =	ssyncadd.s32 $0xFFFFC000;
	s19 =	sadd.s32 $0x0, s23  }
0x7f: {  	[tilespmem:s30], [sflag:$0x2] =	stream.linear.gather [hbm4b:s19+s4], $0x4000, $0x38;
	[tilespmem:$0x1FE80] =	vst v63  }
0x80: {  	_ =	swait.ge [sflag:s31], $0x4000  }
0x81: {  	[sflag:s31] =	ssyncset.done $0x0  }
0x82: {  	[sflag:s31] =	ssyncadd.s32 $0xFFFFC000  }
0x83: {  	[spmem:s3] =	stream.indirect.scatter.add.f32 [tilespmem:s4], [sflag:$0x5], $0x80, s14, s1, $0xb8;
	[tilespmem:$0x1FE80] =	vst v63  }
0x84: {  	_ =	swait.ge [sflag:s9], $0x4000  }
0x85: {  	s8 =	rddreg [dreg:$0xb];
	[sflag:s9] =	ssyncset.done $0x0  }
0x86: {  	[sflag:s9] =	ssyncadd.s32 $0xFFFFC000;
	s19 =	sadd.s32 $0x0, s8  }
0x87: {  	[tilespmem:s26], [sflag:$0x3] =	stream.linear.gather [hbm4b:s19+s4], $0x4000, $0x38;
	[tilespmem:$0x1FE80] =	vst v63  }
0x88: {  	_ =	swait.ge [sflag:s2], $0x4000  }
0x89: {  	[sflag:s2] =	ssyncset.done $0x0  }
0x8a: {  	[sflag:s2] =	ssyncadd.s32 $0xFFFFC000  }
0x8b: {  	[spmem:s3] =	stream.indirect.scatter.add.f32 [tilespmem:s30], [sflag:$0x5], $0x80, s15, s1, $0xb8;
	[tilespmem:$0x1FE80] =	vst v63  }
0x8c: {  	_ =	swait.ge [sflag:s9], $0x4000  }
0x8d: {  	s17 =	rddreg [dreg:$0xd];
	[sflag:s9] =	ssyncset.done $0x0  }
0x8e: {  	[sflag:s9] =	ssyncadd.s32 $0xFFFFC000;
	s19 =	sadd.s32 $0x0, s17  }
0x8f: {  	[tilespmem:s4], [sflag:$0x1] =	stream.linear.gather [hbm4b:s19+s4], $0x4000, $0x38;
	[tilespmem:$0x1FE80] =	vst v63  }
0x90: {  	_ =	swait.ge [sflag:s11], $0x4000  }
0x91: {  	[sflag:s11] =	ssyncset.done $0x0  }
0x92: {  	[sflag:s11] =	ssyncadd.s32 $0xFFFFC000  }
0x93: {  	[spmem:s3] =	stream.indirect.scatter.add.f32 [tilespmem:s26], [sflag:$0x5], $0x80, s16, s1, $0xb8;
	[tilespmem:$0x1FE80] =	vst v63  }
0x94: {  	_ =	swait.ge [sflag:s29], $0x300  }
0x95: {  	[sflag:s29] =	ssyncset.done $0x0  }
0x96: {  	[sflag:s29] =	ssyncadd.s32 $0xFFFFFD00  }
0x97: {  	_ =	swait.ge [sflag:s9], $0x4000  }
0x98: {  	s20 =	rddreg [dreg:$0x5];
	[sflag:s9] =	ssyncset.done $0x0  }
0x99: {  	[sflag:s9] =	ssyncadd.s32 $0xFFFFC000;
	s19 =	sadd.s32 $0x0, s20  }
0x9a: {  	[tilespmem:s30], [sflag:$0x2] =	stream.linear.gather [hbm4b:s19+s4], $0x4000, $0x38;
	[tilespmem:$0x1FE80] =	vst v63  }
0x9b: {  	_ =	swait.ge [sflag:s31], $0x4000  }
0x9c: {  	[sflag:s31] =	ssyncset.done $0x0  }
0x9d: {  	[sflag:s31] =	ssyncadd.s32 $0xFFFFC000  }
0x9e: {  	[spmem:s3] =	stream.indirect.scatter.add.f32 [tilespmem:s4], [sflag:$0x5], $0x80, s10, s1, $0xb8;
	[tilespmem:$0x1FE80] =	vst v63  }
0x9f: {  	_ =	swait.ge [sflag:s9], $0x4000  }
0xa0: {  	s21 =	rddreg [dreg:$0x6];
	[sflag:s9] =	ssyncset.done $0x0  }
0xa1: {  	[sflag:s9] =	ssyncadd.s32 $0xFFFFC000;
	s19 =	sadd.s32 $0x0, s21  }
0xa2: {  	[tilespmem:s26], [sflag:$0x3] =	stream.linear.gather [hbm4b:s19+s4], $0x4000, $0x38;
	[tilespmem:$0x1FE80] =	vst v63  }
0xa3: {  	_ =	swait.ge [sflag:s2], $0x4000  }
0xa4: {  	[sflag:s2] =	ssyncset.done $0x0  }
0xa5: {  	s22 =	rddreg [dreg:$0x10];
	[sflag:s2] =	ssyncadd.s32 $0xFFFFC000  }
0xa6: {  	[spmem:s3] =	stream.indirect.scatter.add.f32 [tilespmem:s30], [sflag:$0x5], $0x80, s22, s1, $0xb8;
	[tilespmem:$0x1FE80] =	vst v63  }
0xa7: {  	_ =	swait.ge [sflag:s9], $0x4000  }
0xa8: {  	s23 =	rddreg [dreg:$0x7];
	[sflag:s9] =	ssyncset.done $0x0  }
0xa9: {  	[sflag:s9] =	ssyncadd.s32 $0xFFFFC000;
	s19 =	sadd.s32 $0x0, s23  }
0xaa: {  	[tilespmem:s4], [sflag:$0x1] =	stream.linear.gather [hbm4b:s19+s4], $0x4000, $0x38;
	[tilespmem:$0x1FE80] =	vst v63  }
0xab: {  	_ = 	snop  }
0xac: {  	[tilespmem:s25], [sflag:$0x4] =	stream.linear.gather [hbm4b:s24+s4], $0x300, $0x38;
	[tilespmem:$0x1FE80] =	vst v63  }
0xad: {  	_ =	swait.ge [sflag:s11], $0x4000  }
0xae: {  	[sflag:s11] =	ssyncset.done $0x0  }
0xaf: {  	s8 =	rddreg [dreg:$0x11];
	[sflag:s11] =	ssyncadd.s32 $0xFFFFC000  }
0xb0: {  	[spmem:s3] =	stream.indirect.scatter.add.f32 [tilespmem:s26], [sflag:$0x5], $0x80, s8, s1, $0xb8;
	[tilespmem:$0x1FE80] =	vst v63  }
0xb1: {  	_ =	swait.ge [sflag:s9], $0x4000  }
0xb2: {  	s17 =	rddreg [dreg:$0x8];
	[sflag:s9] =	ssyncset.done $0x0  }
0xb3: {  	[sflag:s9] =	ssyncadd.s32 $0xFFFFC000;
	s19 =	sadd.s32 $0x0, s17  }
0xb4: {  	[tilespmem:s30], [sflag:$0x2] =	stream.linear.gather [hbm4b:s19+s4], $0x4000, $0x38;
	[tilespmem:$0x1FE80] =	vst v63  }
0xb5: {  	_ =	swait.ge [sflag:s31], $0x4000  }
0xb6: {  	[sflag:s31] =	ssyncset.done $0x0  }
0xb7: {  	s20 =	rddreg [dreg:$0x12];
	[sflag:s31] =	ssyncadd.s32 $0xFFFFC000  }
0xb8: {  	[spmem:s3] =	stream.indirect.scatter.add.f32 [tilespmem:s4], [sflag:$0x5], $0x80, s20, s1, $0xb8;
	[tilespmem:$0x1FE80] =	vst v63  }
0xb9: {  	_ =	swait.ge [sflag:s9], $0x4000  }
0xba: {  	s21 =	rddreg [dreg:$0x9];
	[sflag:s9] =	ssyncset.done $0x0  }
0xbb: {  	[sflag:s9] =	ssyncadd.s32 $0xFFFFC000;
	s19 =	sadd.s32 $0x0, s21  }
0xbc: {  	[tilespmem:s26], [sflag:$0x3] =	stream.linear.gather [hbm4b:s19+s4], $0x4000, $0x38;
	[tilespmem:$0x1FE80] =	vst v63  }
0xbd: {  	_ =	swait.ge [sflag:s2], $0x4000  }
0xbe: {  	[sflag:s2] =	ssyncset.done $0x0  }
0xbf: {  	s22 =	rddreg [dreg:$0x13];
	[sflag:s2] =	ssyncadd.s32 $0xFFFFC000  }
0xc0: {  	[spmem:s3] =	stream.indirect.scatter.add.f32 [tilespmem:s30], [sflag:$0x5], $0x80, s22, s1, $0xb8;
	[tilespmem:$0x1FE80] =	vst v63  }
0xc1: {  	_ =	swait.ge [sflag:s9], $0x4000  }
0xc2: {  	s23 =	rddreg [dreg:$0xa];
	[sflag:s9] =	ssyncset.done $0x0  }
0xc3: {  	[sflag:s9] =	ssyncadd.s32 $0xFFFFC000;
	s19 =	sadd.s32 $0x0, s23  }
0xc4: {  	[tilespmem:s4], [sflag:$0x1] =	stream.linear.gather [hbm4b:s19+s4], $0x4000, $0x38;
	[tilespmem:$0x1FE80] =	vst v63  }
0xc5: {  	_ =	swait.ge [sflag:s11], $0x4000  }
0xc6: {  	s8 =	simm.s32 $0xE;
	s20 =	sadd.s32 $0xC0, s24;
	[sflag:s11] =	ssyncset.done $0x0  }
0xc7: {  	s19 =	simm.s32 $0x6000;
	s22 =	rddreg [dreg:$0x14];
	[sflag:s11] =	ssyncadd.s32 $0xFFFFC000  }
.LBB2_4:
0xc8: {  	[spmem:s3] =	stream.indirect.scatter.add.f32 [tilespmem:s26], [sflag:$0x5], $0x80, s22, s1, $0xb8;
	[tilespmem:$0x1FE80] =	vst v63  }
0xc9: {  	s22 =	smov.u32 s19;
	_ =	swait.ge [sflag:s29], $0x300  }
0xca: {  	p3 =	seq.s32 s22, $0x0;
	[sflag:s29] =	ssyncset.done $0x0  }
0xcb: {  	s23 =	simm.s32 @!p3 $0x5;
	[sflag:s29] =	ssyncadd.s32 $0xFFFFFD00  }
0xcc: {  	_ =	swait.ge @!p3 [sflag:s23], $0x4000  }
0xcd: {  	s17 =	rddreg [dreg:$0xf];
	[sflag:s23] =	ssyncset.done @!p3 $0x0  }
0xce: {  	[sflag:s23] =	ssyncadd.s32 @!p3 $0xFFFFC000;
	s17 =	sadd.s32 s22, s17  }
0xcf: {  	[tilespmem:s30], [sflag:$0x2] =	stream.linear.gather [hbm4b:s17+s4], $0x4000, $0x38;
	[tilespmem:$0x1FE80] =	vst v63  }
0xd0: {  	s21 =	smov.u32 s8;
	_ =	swait.ge [sflag:s31], $0x4000  }
0xd1: {  	s21 =	simm.s32 @p3 $0x2;
	[sflag:s31] =	ssyncset.done $0x0  }
0xd2: {  	s21 =	sadd.s32 s5, s21;
	[sflag:s31] =	ssyncadd.s32 $0xFFFFC000  }
0xd3: {  	[spmem:s3] =	stream.indirect.scatter.add.f32 [tilespmem:s4], [sflag:$0x5], $0x80, s25, s1, $0xb8;
	[tilespmem:$0x1FE80] =	vst v63  }
0xd4: {  	s21 =	sshll.u32 s21, $0xB;
	_ =	swait.ge @!p3 [sflag:s23], $0x4000  }
0xd5: {  	s21 =	sand.u32 $0x1FFFF800, s21;
	[sflag:s23] =	ssyncset.done @!p3 $0x0  }
0xd6: {  	s21 =	sadd.s32 s0, s21;
	[sflag:s23] =	ssyncadd.s32 @!p3 $0xFFFFC000  }
0xd7: {  	[tilespmem:s26], [sflag:$0x3] =	stream.linear.gather [hbm4b:s21+s4], $0x4000, $0x38;
	[tilespmem:$0x1FE80] =	vst v63  }
0xd8: {  	_ =	swait.ge [sflag:s2], $0x4000  }
0xd9: {  	[sflag:s2] =	ssyncset.done $0x0  }
0xda: {  	[sflag:s2] =	ssyncadd.s32 $0xFFFFC000  }
0xdb: {  	[spmem:s3] =	stream.indirect.scatter.add.f32 [tilespmem:s30], [sflag:$0x5], $0x80, s6, s1, $0xb8;
	[tilespmem:$0x1FE80] =	vst v63  }
0xdc: {  	_ =	swait.ge [sflag:s9], $0x4000  }
0xdd: {  	s23 =	rddreg [dreg:$0xe];
	[sflag:s9] =	ssyncset.done $0x0  }
0xde: {  	[sflag:s9] =	ssyncadd.s32 $0xFFFFC000;
	s17 =	sadd.s32 s22, s23  }
0xdf: {  	[tilespmem:s4], [sflag:$0x1] =	stream.linear.gather [hbm4b:s17+s4], $0x4000, $0x38;
	[tilespmem:$0x1FE80] =	vst v63  }
0xe0: {  	s21 =	sadd.s32 $0xFFFFFFA0, s20  }
0xe1: {  	[tilespmem:s10], [sflag:$0x4] =	stream.linear.gather [hbm4b:s21+s4], $0x300, $0x38;
	[tilespmem:$0x1FE80] =	vst v63  }
0xe2: {  	_ =	swait.ge [sflag:s11], $0x4000  }
0xe3: {  	[sflag:s11] =	ssyncset.done $0x0  }
0xe4: {  	[sflag:s11] =	ssyncadd.s32 $0xFFFFC000  }
0xe5: {  	[spmem:s3] =	stream.indirect.scatter.add.f32 [tilespmem:s26], [sflag:$0x5], $0x80, s12, s1, $0xb8;
	[tilespmem:$0x1FE80] =	vst v63  }
0xe6: {  	_ =	swait.ge [sflag:s9], $0x4000  }
0xe7: {  	s23 =	rddreg [dreg:$0xc];
	[sflag:s9] =	ssyncset.done $0x0  }
0xe8: {  	[sflag:s9] =	ssyncadd.s32 $0xFFFFC000;
	s17 =	sadd.s32 s22, s23  }
0xe9: {  	[tilespmem:s30], [sflag:$0x2] =	stream.linear.gather [hbm4b:s17+s4], $0x4000, $0x38;
	[tilespmem:$0x1FE80] =	vst v63  }
0xea: {  	_ =	swait.ge [sflag:s31], $0x4000  }
0xeb: {  	[sflag:s31] =	ssyncset.done $0x0  }
0xec: {  	[sflag:s31] =	ssyncadd.s32 $0xFFFFC000  }
0xed: {  	[spmem:s3] =	stream.indirect.scatter.add.f32 [tilespmem:s4], [sflag:$0x5], $0x80, s14, s1, $0xb8;
	[tilespmem:$0x1FE80] =	vst v63  }
0xee: {  	_ =	swait.ge [sflag:s9], $0x4000  }
0xef: {  	s21 =	rddreg [dreg:$0xb];
	[sflag:s9] =	ssyncset.done $0x0  }
0xf0: {  	[sflag:s9] =	ssyncadd.s32 $0xFFFFC000;
	s17 =	sadd.s32 s22, s21  }
0xf1: {  	[tilespmem:s26], [sflag:$0x3] =	stream.linear.gather [hbm4b:s17+s4], $0x4000, $0x38;
	[tilespmem:$0x1FE80] =	vst v63  }
0xf2: {  	_ =	swait.ge [sflag:s2], $0x4000  }
0xf3: {  	[sflag:s2] =	ssyncset.done $0x0  }
0xf4: {  	[sflag:s2] =	ssyncadd.s32 $0xFFFFC000  }
0xf5: {  	[spmem:s3] =	stream.indirect.scatter.add.f32 [tilespmem:s30], [sflag:$0x5], $0x80, s15, s1, $0xb8;
	[tilespmem:$0x1FE80] =	vst v63  }
0xf6: {  	_ =	swait.ge [sflag:s9], $0x4000  }
0xf7: {  	s23 =	rddreg [dreg:$0xd];
	[sflag:s9] =	ssyncset.done $0x0  }
0xf8: {  	[sflag:s9] =	ssyncadd.s32 $0xFFFFC000;
	s17 =	sadd.s32 s22, s23  }
0xf9: {  	[tilespmem:s4], [sflag:$0x1] =	stream.linear.gather [hbm4b:s17+s4], $0x4000, $0x38;
	[tilespmem:$0x1FE80] =	vst v63  }
0xfa: {  	_ =	swait.ge [sflag:s11], $0x4000  }
0xfb: {  	[sflag:s11] =	ssyncset.done $0x0  }
0xfc: {  	[sflag:s11] =	ssyncadd.s32 $0xFFFFC000  }
0xfd: {  	[spmem:s3] =	stream.indirect.scatter.add.f32 [tilespmem:s26], [sflag:$0x5], $0x80, s16, s1, $0xb8;
	[tilespmem:$0x1FE80] =	vst v63  }
0xfe: {  	_ =	swait.ge [sflag:s29], $0x300  }
0xff: {  	[sflag:s29] =	ssyncset.done $0x0  }
0x100: {  	[sflag:s29] =	ssyncadd.s32 $0xFFFFFD00  }
0x101: {  	_ =	swait.ge [sflag:s9], $0x4000  }
0x102: {  	s21 =	rddreg [dreg:$0x5];
	[sflag:s9] =	ssyncset.done $0x0  }
0x103: {  	[sflag:s9] =	ssyncadd.s32 $0xFFFFC000;
	s17 =	sadd.s32 s22, s21  }
0x104: {  	[tilespmem:s30], [sflag:$0x2] =	stream.linear.gather [hbm4b:s17+s4], $0x4000, $0x38;
	[tilespmem:$0x1FE80] =	vst v63  }
0x105: {  	_ =	swait.ge [sflag:s31], $0x4000  }
0x106: {  	[sflag:s31] =	ssyncset.done $0x0  }
0x107: {  	[sflag:s31] =	ssyncadd.s32 $0xFFFFC000  }
0x108: {  	[spmem:s3] =	stream.indirect.scatter.add.f32 [tilespmem:s4], [sflag:$0x5], $0x80, s10, s1, $0xb8;
	[tilespmem:$0x1FE80] =	vst v63  }
0x109: {  	_ =	swait.ge [sflag:s9], $0x4000  }
0x10a: {  	s23 =	rddreg [dreg:$0x6];
	[sflag:s9] =	ssyncset.done $0x0  }
0x10b: {  	[sflag:s9] =	ssyncadd.s32 $0xFFFFC000;
	s17 =	sadd.s32 s22, s23  }
0x10c: {  	[tilespmem:s26], [sflag:$0x3] =	stream.linear.gather [hbm4b:s17+s4], $0x4000, $0x38;
	[tilespmem:$0x1FE80] =	vst v63  }
0x10d: {  	_ =	swait.ge [sflag:s2], $0x4000  }
0x10e: {  	[sflag:s2] =	ssyncset.done $0x0  }
0x10f: {  	s21 =	rddreg [dreg:$0x10];
	[sflag:s2] =	ssyncadd.s32 $0xFFFFC000  }
0x110: {  	[spmem:s3] =	stream.indirect.scatter.add.f32 [tilespmem:s30], [sflag:$0x5], $0x80, s21, s1, $0xb8;
	[tilespmem:$0x1FE80] =	vst v63  }
0x111: {  	_ =	swait.ge [sflag:s9], $0x4000  }
0x112: {  	s23 =	rddreg [dreg:$0x7];
	[sflag:s9] =	ssyncset.done $0x0  }
0x113: {  	[sflag:s9] =	ssyncadd.s32 $0xFFFFC000;
	s17 =	sadd.s32 s22, s23  }
0x114: {  	[tilespmem:s4], [sflag:$0x1] =	stream.linear.gather [hbm4b:s17+s4], $0x4000, $0x38;
	[tilespmem:$0x1FE80] =	vst v63  }
0x115: {  	_ = 	snop  }
0x116: {  	[tilespmem:s25], [sflag:$0x4] =	stream.linear.gather [hbm4b:s20+s4], $0x300, $0x38;
	[tilespmem:$0x1FE80] =	vst v63  }
0x117: {  	_ =	swait.ge [sflag:s11], $0x4000  }
0x118: {  	[sflag:s11] =	ssyncset.done $0x0  }
0x119: {  	s21 =	rddreg [dreg:$0x11];
	[sflag:s11] =	ssyncadd.s32 $0xFFFFC000  }
0x11a: {  	[spmem:s3] =	stream.indirect.scatter.add.f32 [tilespmem:s26], [sflag:$0x5], $0x80, s21, s1, $0xb8;
	[tilespmem:$0x1FE80] =	vst v63  }
0x11b: {  	_ =	swait.ge [sflag:s9], $0x4000  }
0x11c: {  	s23 =	rddreg [dreg:$0x8];
	[sflag:s9] =	ssyncset.done $0x0  }
0x11d: {  	[sflag:s9] =	ssyncadd.s32 $0xFFFFC000;
	s17 =	sadd.s32 s22, s23  }
0x11e: {  	[tilespmem:s30], [sflag:$0x2] =	stream.linear.gather [hbm4b:s17+s4], $0x4000, $0x38;
	[tilespmem:$0x1FE80] =	vst v63  }
0x11f: {  	_ =	swait.ge [sflag:s31], $0x4000  }
0x120: {  	[sflag:s31] =	ssyncset.done $0x0  }
0x121: {  	s21 =	rddreg [dreg:$0x12];
	[sflag:s31] =	ssyncadd.s32 $0xFFFFC000  }
0x122: {  	[spmem:s3] =	stream.indirect.scatter.add.f32 [tilespmem:s4], [sflag:$0x5], $0x80, s21, s1, $0xb8;
	[tilespmem:$0x1FE80] =	vst v63  }
0x123: {  	_ =	swait.ge [sflag:s9], $0x4000  }
0x124: {  	s23 =	rddreg [dreg:$0x9];
	[sflag:s9] =	ssyncset.done $0x0  }
0x125: {  	[sflag:s9] =	ssyncadd.s32 $0xFFFFC000;
	s17 =	sadd.s32 s22, s23  }
0x126: {  	[tilespmem:s26], [sflag:$0x3] =	stream.linear.gather [hbm4b:s17+s4], $0x4000, $0x38;
	[tilespmem:$0x1FE80] =	vst v63  }
0x127: {  	_ =	swait.ge [sflag:s2], $0x4000  }
0x128: {  	[sflag:s2] =	ssyncset.done $0x0  }
0x129: {  	s21 =	rddreg [dreg:$0x13];
	[sflag:s2] =	ssyncadd.s32 $0xFFFFC000  }
0x12a: {  	[spmem:s3] =	stream.indirect.scatter.add.f32 [tilespmem:s30], [sflag:$0x5], $0x80, s21, s1, $0xb8;
	[tilespmem:$0x1FE80] =	vst v63  }
0x12b: {  	s19 =	sadd.s32 $0x6000, s19;
	_ =	swait.ge [sflag:s9], $0x4000  }
0x12c: {  	p2 =	sne.s32 s19, $0x24000;
	s23 =	rddreg [dreg:$0xa];
	[sflag:s9] =	ssyncset.done $0x0  }
.Ltmp1:
0x12d: {  	[sflag:s9] =	ssyncadd.s32 $0xFFFFC000;
	s17 =	sadd.s32 s22, s23;
	(pc) =	sbr.rel @p2 .LBB2_4-.Ltmp1, $4  }
0x12e: {  	[tilespmem:s4], [sflag:$0x1] =	stream.linear.gather [hbm4b:s17+s4], $0x4000, $0x38;
	[tilespmem:$0x1FE80] =	vst v63  }
0x12f: {  	_ =	swait.ge [sflag:s11], $0x4000  }
0x130: {  	s8 =	sadd.s32 $0xC, s8;
	[sflag:s11] =	ssyncset.done $0x0  }
0x131: {  	s20 =	sadd.s32 $0xC0, s20;
	s22 =	rddreg [dreg:$0x14];
	[sflag:s11] =	ssyncadd.s32 $0xFFFFC000  }
0x132: {  	[spmem:s3] =	stream.indirect.scatter.add.f32 [tilespmem:s26], [sflag:$0x5], $0x80, s22, s1, $0xb8;
	[tilespmem:$0x1FE80] =	vst v63  }
0x133: {  	_ =	swait.ge [sflag:s29], $0x300  }
0x134: {  	[sflag:s29] =	ssyncset.done $0x0  }
0x135: {  	[sflag:s29] =	ssyncadd.s32 $0xFFFFFD00  }
0x136: {  	_ =	swait.ge [sflag:s9], $0x4000  }
0x137: {  	[sflag:s9] =	ssyncset.done $0x0  }
0x138: {  	s8 =	rddreg [dreg:$0x1b];
	[sflag:s9] =	ssyncadd.s32 $0xFFFFC000  }
0x139: {  	[tilespmem:s30], [sflag:$0x2] =	stream.linear.gather [hbm4b:s8+s4], $0x4000, $0x38;
	[tilespmem:$0x1FE80] =	vst v63  }
0x13a: {  	_ =	swait.ge [sflag:s31], $0x4000  }
0x13b: {  	[sflag:s31] =	ssyncset.done $0x0  }
0x13c: {  	[sflag:s31] =	ssyncadd.s32 $0xFFFFC000  }
0x13d: {  	[spmem:s3] =	stream.indirect.scatter.add.f32 [tilespmem:s4], [sflag:$0x5], $0x80, s25, s1, $0xb8;
	[tilespmem:$0x1FE80] =	vst v63  }
0x13e: {  	_ =	swait.ge [sflag:s9], $0x4000  }
0x13f: {  	[sflag:s9] =	ssyncset.done $0x0  }
0x140: {  	s21 =	rddreg [dreg:$0x1c];
	[sflag:s9] =	ssyncadd.s32 $0xFFFFC000  }
0x141: {  	[tilespmem:s26], [sflag:$0x3] =	stream.linear.gather [hbm4b:s21+s4], $0x4000, $0x38;
	[tilespmem:$0x1FE80] =	vst v63  }
0x142: {  	_ =	swait.ge [sflag:s2], $0x4000  }
0x143: {  	[sflag:s2] =	ssyncset.done $0x0  }
0x144: {  	[sflag:s2] =	ssyncadd.s32 $0xFFFFC000  }
0x145: {  	[spmem:s3] =	stream.indirect.scatter.add.f32 [tilespmem:s30], [sflag:$0x5], $0x80, s6, s1, $0xb8;
	[tilespmem:$0x1FE80] =	vst v63  }
0x146: {  	_ =	swait.ge [sflag:s9], $0x4000  }
0x147: {  	[sflag:s9] =	ssyncset.done $0x0  }
0x148: {  	s22 =	rddreg [dreg:$0x1d];
	[sflag:s9] =	ssyncadd.s32 $0xFFFFC000  }
0x149: {  	[tilespmem:s4], [sflag:$0x1] =	stream.linear.gather [hbm4b:s22+s4], $0x4000, $0x38;
	[tilespmem:$0x1FE80] =	vst v63  }
0x14a: {  	_ =	swait.ge [sflag:s11], $0x4000  }
0x14b: {  	[sflag:s11] =	ssyncset.done $0x0  }
0x14c: {  	[sflag:s11] =	ssyncadd.s32 $0xFFFFC000  }
0x14d: {  	[spmem:s3] =	stream.indirect.scatter.add.f32 [tilespmem:s26], [sflag:$0x5], $0x80, s12, s1, $0xb8;
	[tilespmem:$0x1FE80] =	vst v63  }
0x14e: {  	_ =	swait.ge [sflag:s9], $0x4000  }
0x14f: {  	[sflag:s9] =	ssyncset.done $0x0  }
0x150: {  	s23 =	rddreg [dreg:$0x1f];
	[sflag:s9] =	ssyncadd.s32 $0xFFFFC000  }
0x151: {  	[tilespmem:s30], [sflag:$0x2] =	stream.linear.gather [hbm4b:s23+s4], $0x4000, $0x38;
	[tilespmem:$0x1FE80] =	vst v63  }
0x152: {  	_ =	swait.ge [sflag:s31], $0x4000  }
0x153: {  	[sflag:s31] =	ssyncset.done $0x0  }
0x154: {  	[sflag:s31] =	ssyncadd.s32 $0xFFFFC000  }
0x155: {  	[spmem:s3] =	stream.indirect.scatter.add.f32 [tilespmem:s4], [sflag:$0x5], $0x80, s14, s1, $0xb8;
	[tilespmem:$0x1FE80] =	vst v63  }
0x156: {  	_ =	swait.ge [sflag:s9], $0x4000  }
0x157: {  	s17 =	sld [smem:$0x7F9]  }
0x158: {  	[sflag:s9] =	ssyncset.done $0x0  }
0x159: {  	[sflag:s9] =	ssyncadd.s32 $0xFFFFC000  }
0x15a: {  	[tilespmem:s26], [sflag:$0x3] =	stream.linear.gather [hbm4b:s17+s4], $0x4000, $0x38;
	[tilespmem:$0x1FE80] =	vst v63  }
0x15b: {  	_ =	swait.ge [sflag:s2], $0x4000  }
0x15c: {  	[sflag:s2] =	ssyncset.done $0x0  }
0x15d: {  	[sflag:s2] =	ssyncadd.s32 $0xFFFFC000  }
0x15e: {  	[spmem:s3] =	stream.indirect.scatter.add.f32 [tilespmem:s30], [sflag:$0x5], $0x80, s15, s1, $0xb8;
	[tilespmem:$0x1FE80] =	vst v63  }
0x15f: {  	_ =	swait.ge [sflag:s9], $0x4000  }
0x160: {  	[sflag:s9] =	ssyncset.done $0x0  }
0x161: {  	[sflag:s9] =	ssyncadd.s32 $0xFFFFC000  }
0x162: {  	_ =	swait.ge [sflag:s11], $0x4000  }
0x163: {  	[sflag:s11] =	ssyncset.done $0x0  }
0x164: {  	[sflag:s11] =	ssyncadd.s32 $0xFFFFC000  }
0x165: {  	[spmem:s3] =	stream.indirect.scatter.add.f32 [tilespmem:s26], [sflag:$0x5], $0x80, s16, s1, $0xb8;
	[tilespmem:$0x1FE80] =	vst v63  }
0x166: {  	_ =	swait.ge [sflag:s9], $0x4000  }
0x167: {  	[sflag:s9] =	ssyncset.done $0x0  }
0x168: {  	[sflag:s9] =	ssyncadd.s32 $0xFFFFC000  }
0x169: {  	_ =	swait.ge [sflag:s9], $0x4000  }
0x16a: {  	s19 =	sld [smem:$0x7FA]  }
0x16b: {  	[sflag:s9] =	ssyncset.done $0x0  }
0x16c: {  	s8 =	simm.s32 @!p1 $0x0;
	s17 =	simm.s32 @!p1 $0xC300;
	[sflag:s9] =	ssyncadd.s32 $0xFFFFC000  }
0x16d: {  	[tilespmem:s17], [sflag:$0x7] =	stream.linear.gather @!p1 [hbm4b:s19+s8], $0x80, $0x38;
	[tilespmem:$0x1FE80] =	vst v63  }
0x16e: {  	s19 =	simm.s32 @!p1 $0x7  }
0x16f: {  	_ =	swait.ge @!p1 [sflag:s19], $0x80  }
0x170: {  	s20 =	sld [smem:$0x7FB]  }
0x171: {  	[sflag:s19] =	ssyncset.done @!p1 $0x0  }
0x172: {  	[sflag:s19] =	ssyncadd.s32 @!p1 $0xFFFFFF80  }
0x173: {  	[tilespmem:s8], [sflag:$0x1] =	stream.linear.gather @!p1 [hbm4b:s20+s8], $0x4000, $0x38;
	[tilespmem:$0x1FE80] =	vst v63  }
0x174: {  	s20 =	simm.s32 @!p1 $0x1  }
0x175: {  	_ =	swait.ge @!p1 [sflag:s20], $0x4000  }
0x176: {  	[sflag:s20] =	ssyncset.done @!p1 $0x0  }
0x177: {  	[sflag:s20] =	ssyncadd.s32 @!p1 $0xFFFFC000;
	s20 =	simm.s32 @!p1 $0x80  }
0x178: {  	[spmem:s3] =	stream.indirect.scatter.add.f32 @!p1 [tilespmem:s8], [sflag:$0x7], $0x80, s17, s20, $0xb8;
	[tilespmem:$0x1FE80] =	vst v63  }
0x179: {  	_ =	swait.ge @!p1 [sflag:s19], $0x4000  }
0x17a: {  	[sflag:s19] =	ssyncset.done @!p1 $0x0  }
0x17b: {  	[sflag:s19] =	ssyncadd.s32 @!p1 $0xFFFFC000;
	s19 =	stileid.u32  }
0x17c: {  	s22 =	simm.s32 $0x7;
	s8 =	sshll.u32 s19, $0x6;
	[bflag:$0x0] =	sbarrier.arrive $0xFFFF  }
0x17d: {  	s20 =	sshrl.u32 s7, $0x3;
	s8 =	sor.u32 $0x1C07, s8;
	s21 =	rddreg [dreg:$0x1e]  }
0x17e: {  	[hbm:s21], [sflag:s8] =	dma.local [spmem:s20], $0x2700  }
0x17f: {  	_ =	swait.ge [sflag:s22], $0x2700  }
0x180: {  	s19 =	sld [smem:$0x7FC]  }
0x181: {  	[sflag:s22] =	ssyncset.done $0x0  }
0x182: {  	s17 =	sshrl.u32 @!p0 s13, $0x3;
	[sflag:s22] =	ssyncadd.s32 $0xFFFFD900  }
0x183: {  	[hbm:s19], [sflag:s8] =	dma.local @!p0 [spmem:s17], $0x100  }
0x184: {  	s8 =	simm.s32 @!p0 $0x7  }
0x185: {  	_ =	swait.ge @!p0 [sflag:s8], $0x100  }
0x186: {  	s23 =	sld [smem:$0x7FD];
	_ =	sdelay $0x1  }
0x187: {  	s18 =	sadd.s32 $0x1, s18  }
0x188: {  	p2 =	sne.s32 s18, s23  }
.Ltmp2:
0x189: {  	_ = 	snop;
	(pc) =	sbr.rel @p2 .LBB2_1-.Ltmp2, $3  }
0x18a: {  	_ =	sdelay $0x1  }
0x18b: {  	[sflag:s8] =	ssyncset.done @!p0 $0x0  }
0x18c: {  	[sflag:s8] =	ssyncadd.s32 @!p0 $0xFFFFFF00  }
0x18d: {  	_ =	sfence.sel $0x180000  }
0x18e: {  	[bflag:$0x0] =	sbarrier.arrive $0xFFFF  }
0x18f: {  	_ =	strace $0x90000047  }
0x190: {  	s0 =	stileid.u32;
	[bflag:$0x2] =	sbarrier.arrive $0xFFFF  }
0x191: {  	p0 =	sne.s32 s0, $0x0;
	s0 =	rddreg [dreg:$0x4]  }
0x192: {  	s0 =	sadd.s32 @!p0 $0x100000, s0  }
0x193: {  	[sflag:s0] =	ssyncadd.tile.s32 @!p0 $0x1;
	_ =	shalt  }
.Lfunc_end2:
_tile_overlayer_lowered:
.L_overlay_start_2:
0x194: {  	(tag) =	ssettag $0x2  }
0x195: {  	s0 =	rddreg [dreg:$0x0];
	s2 =	stileid.u32  }
0x196: {  	s1 =	rddreg [dreg:$0x1];
	p0 =	sne.s32 s2, $0x0  }
0x197: {  	s3 =	rddreg [dreg:$0x2];
	[bflag:$0x3] =	sbarrier.arrive $0xFFFF;
	s2 =	simm.s32 @!p0 $0x1C07  }
0x198: {  	[timem:s3], [sflag:s2] =	dma.local @!p0 [hbm:s0], s1  }
0x199: {  	s0 =	simm.s32 @!p0 $0x7  }
0x19a: {  	_ =	swait.ge @!p0 [sflag:s0], s1  }
0x19b: {  	s1 =	ssub.s32 @!p0 $0x0, s1;
	[sflag:s0] =	ssyncset.done @!p0 $0x0  }
0x19c: {  	[sflag:s0] =	ssyncadd.s32 @!p0 s1  }
0x19d: {  	[bflag:$0x3] =	sbarrier.arrive $0xFFFF  }
0x19e: {  	_ =	shalt  }

</sc_bundles>
